<compile_context>
chip_gen: v7x
topology: tpu7x:2x2x1
jax: 0.10.2.dev20260603
libtpu: 0.0.44.dev20260713+nightly
codegen_flags: <defaults>
</compile_context>

<pallas_src>
import functools

import jax
import jax.numpy as jnp
from jax import lax
from jax.experimental import pallas as pl
from jax.experimental.pallas import tpu as pltpu
from jax.experimental.pallas import tpu_sc as plsc

BLK = 256
NC, NS = 2, 16
NW = NC * NS


def _plan_kernel(nb_total, x_ref, gw_ref,
                 pos1_ref, pos2_ref, w1_ref, w2_ref, bexp_ref):
    T, _ = x_ref.shape
    E = gw_ref.shape[0]
    xb = x_ref[...].astype(jnp.bfloat16)
    gw = gw_ref[...].astype(jnp.bfloat16)
    logits = lax.dot_general(xb, gw, (((1,), (1,)), ((), ())),
                             preferred_element_type=jnp.float32)
    cols = lax.broadcasted_iota(jnp.int32, (T, E), 1)
    m1 = jnp.max(logits, axis=1, keepdims=True)
    i1 = jnp.min(jnp.where(logits == m1, cols, E), axis=1, keepdims=True)
    mask1 = cols == i1
    l2 = jnp.where(mask1, -jnp.inf, logits)
    m2 = jnp.max(l2, axis=1, keepdims=True)
    i2 = jnp.min(jnp.where(l2 == m2, cols, E), axis=1, keepdims=True)
    mask2 = cols == i2
    p1 = 1.0 / (1.0 + jnp.exp(m2 - m1))

    maskf = (mask1 | mask2).astype(jnp.float32)
    incl = maskf
    s = 1
    while s < T:
        shifted = jnp.concatenate(
            [jnp.zeros((s, E), jnp.float32), incl[:T - s]], axis=0)
        incl = incl + shifted
        s *= 2
    rank = incl - maskf
    counts = incl[T - 1:T, :]
    nblk = jnp.ceil(counts / BLK)

    incl8 = nblk
    s = 1
    while s < E:
        incl8 = incl8 + jnp.concatenate(
            [jnp.zeros((1, s), jnp.float32), incl8[:, :E - s]], axis=1)
        s *= 2
    gsb = incl8 - nblk
    posf = gsb * BLK + rank
    pos1 = jnp.sum(jnp.where(mask1, posf, 0.0), axis=1, keepdims=True)
    pos2 = jnp.sum(jnp.where(mask2, posf, 0.0), axis=1, keepdims=True)
    pos1_ref[...] = pos1.astype(jnp.int32)
    pos2_ref[...] = pos2.astype(jnp.int32)
    w1_ref[...] = jnp.broadcast_to(p1, (T, 128))
    w2_ref[...] = jnp.broadcast_to(1.0 - p1, (T, 128))

    geb = (gsb + nblk).astype(jnp.int32)
    nbi = lax.broadcasted_iota(jnp.int32, (nb_total, E), 0)
    be = jnp.sum((nbi >= geb).astype(jnp.int32), axis=1, keepdims=True)
    bexp_ref[...] = jnp.minimum(be, E - 1)


def _shared_kernel(xb_ref, wsg_ref, wsu_ref, wsd_ref, out_ref):
    xb = xb_ref[...]
    gs = lax.dot_general(xb, wsg_ref[...], (((1,), (1,)), ((), ())),
                         preferred_element_type=jnp.float32)
    us = lax.dot_general(xb, wsu_ref[...], (((1,), (1,)), ((), ())),
                         preferred_element_type=jnp.float32)
    hs = (gs * jax.nn.sigmoid(gs) * us).astype(jnp.bfloat16)
    out_ref[...] = lax.dot_general(hs, wsd_ref[...], (((1,), (1,)), ((), ())),
                                   preferred_element_type=jnp.float32)


def _group_kernel(bexp_ref, xs_ref, rw_ref, wg_ref, wu_ref, wd_ref, o_ref):
    del bexp_ref
    xb = xs_ref[...].astype(jnp.bfloat16)
    g = lax.dot_general(xb, wg_ref[0], (((1,), (1,)), ((), ())),
                        preferred_element_type=jnp.float32)
    u = lax.dot_general(xb, wu_ref[0], (((1,), (1,)), ((), ())),
                        preferred_element_type=jnp.float32)
    h = (g * jax.nn.sigmoid(g) * u).astype(jnp.bfloat16)
    o = lax.dot_general(h, wd_ref[0], (((1,), (1,)), ((), ())),
                        preferred_element_type=jnp.float32)
    o_ref[...] = o * rw_ref[:, 0:1]


def _dispatch_body(cpw, x_hbm, pos1_hbm, pos2_hbm, w1_hbm, w2_hbm,
                   xs_hbm, rw_hbm,
                   idx1_v, idx2_v, rows_v, wrow1_v, wrow2_v, sem):
    wid = lax.axis_index("s") * NC + lax.axis_index("c")
    base = wid * cpw
    l1 = pltpu.async_copy(pos1_hbm.at[pl.ds(base, cpw)], idx1_v, sem)
    l2 = pltpu.async_copy(pos2_hbm.at[pl.ds(base, cpw)], idx2_v, sem)
    l3 = pltpu.async_copy(x_hbm.at[pl.ds(base, cpw)], rows_v, sem)
    l4 = pltpu.async_copy(w1_hbm.at[pl.ds(base, cpw)], wrow1_v, sem)
    l5 = pltpu.async_copy(w2_hbm.at[pl.ds(base, cpw)], wrow2_v, sem)
    l1.wait()
    l2.wait()
    l3.wait()
    l4.wait()
    l5.wait()
    c1 = pltpu.async_copy(rows_v, xs_hbm.at[idx1_v], sem)
    c2 = pltpu.async_copy(rows_v, xs_hbm.at[idx2_v], sem)
    c3 = pltpu.async_copy(wrow1_v, rw_hbm.at[idx1_v], sem)
    c4 = pltpu.async_copy(wrow2_v, rw_hbm.at[idx2_v], sem)
    c1.wait()
    c2.wait()
    c3.wait()
    c4.wait()


def _combine_body(cpw, o_hbm, sh_hbm, pos1_hbm, pos2_hbm, y_hbm,
                  idx1_v, idx2_v, r1_v, r2_v, acc_v, sem):
    wid = lax.axis_index("s") * NC + lax.axis_index("c")
    half = cpw // 2
    n_chunk = r1_v.shape[1] // 16
    for r in range(2):
        base = wid * cpw + r * half
        pltpu.sync_copy(pos1_hbm.at[pl.ds(base, half)], idx1_v)
        pltpu.sync_copy(pos2_hbm.at[pl.ds(base, half)], idx2_v)
        c1 = pltpu.async_copy(o_hbm.at[idx1_v], r1_v, sem)
        c2 = pltpu.async_copy(o_hbm.at[idx2_v], r2_v, sem)
        c3 = pltpu.async_copy(sh_hbm.at[pl.ds(base, half)], acc_v, sem)
        c1.wait()
        c2.wait()
        c3.wait()

        @plsc.parallel_loop(0, half * n_chunk, step=1, unroll=8)
        def _chunks(j):
            row = j // n_chunk
            cs = pl.ds((j % n_chunk) * 16, 16)
            acc_v[row, cs] = acc_v[row, cs] + r1_v[row, cs] + r2_v[row, cs]

        pltpu.sync_copy(acc_v, y_hbm.at[pl.ds(base, half)])


def _sc_dispatch(PADTOT, x, pos1f, pos2f, w1rep, w2rep):
    T, D = x.shape
    cpw = T // NW
    mesh = plsc.VectorSubcoreMesh(core_axis_name="c", subcore_axis_name="s",
                                  num_cores=NC, num_subcores=NS)
    fn = pl.kernel(
        functools.partial(_dispatch_body, cpw),
        out_type=(jax.ShapeDtypeStruct((PADTOT, D), jnp.float32),
                  jax.ShapeDtypeStruct((PADTOT, 128), jnp.float32)),
        mesh=mesh,
        scratch_types=[
            pltpu.VMEM((cpw,), jnp.int32),
            pltpu.VMEM((cpw,), jnp.int32),
            pltpu.VMEM((cpw, D), jnp.float32),
            pltpu.VMEM((cpw, 128), jnp.float32),
            pltpu.VMEM((cpw, 128), jnp.float32),
            pltpu.SemaphoreType.DMA,
        ],
    )
    return fn(x, pos1f, pos2f, w1rep, w2rep)


def _sc_combine(o, sh, pos1f, pos2f):
    T, D = sh.shape
    cpw = T // NW
    half = cpw // 2
    mesh = plsc.VectorSubcoreMesh(core_axis_name="c", subcore_axis_name="s",
                                  num_cores=NC, num_subcores=NS)
    fn = pl.kernel(
        functools.partial(_combine_body, cpw),
        out_type=jax.ShapeDtypeStruct((T, D), jnp.float32),
        mesh=mesh,
        scratch_types=[
            pltpu.VMEM((half,), jnp.int32),
            pltpu.VMEM((half,), jnp.int32),
            pltpu.VMEM((half, D), jnp.float32),
            pltpu.VMEM((half, D), jnp.float32),
            pltpu.VMEM((half, D), jnp.float32),
            pltpu.SemaphoreType.DMA,
        ],
    )
    return fn(o, sh, pos1f, pos2f)


def kernel(hidden_states, gate_w, w_gate, w_up, w_down, ws_gate, ws_up, ws_down):
    orig_shape = hidden_states.shape
    x = hidden_states.reshape(-1, orig_shape[-1])
    T, D = x.shape
    E, FF, _ = w_gate.shape
    SFF = ws_gate.shape[0]
    NB = (T * 2) // BLK + E
    PADTOT = NB * BLK
    NTB = 2
    TB = T // NTB

    pos1, pos2, w1rep, w2rep, bexp = pl.pallas_call(
        functools.partial(_plan_kernel, NB),
        out_shape=(
            jax.ShapeDtypeStruct((T, 1), jnp.int32),
            jax.ShapeDtypeStruct((T, 1), jnp.int32),
            jax.ShapeDtypeStruct((T, 128), jnp.float32),
            jax.ShapeDtypeStruct((T, 128), jnp.float32),
            jax.ShapeDtypeStruct((NB, 1), jnp.int32),
        ),
    )(x, gate_w)
    pos1f = pos1.reshape(T)
    pos2f = pos2.reshape(T)
    bexpf = bexp.reshape(NB)

    xb = x.astype(jnp.bfloat16)
    wgb = w_gate.astype(jnp.bfloat16)
    wub = w_up.astype(jnp.bfloat16)
    wdb = w_down.astype(jnp.bfloat16)
    wsgb = ws_gate.astype(jnp.bfloat16)
    wsub = ws_up.astype(jnp.bfloat16)
    wsdb = ws_down.astype(jnp.bfloat16)

    sh = pl.pallas_call(
        _shared_kernel,
        grid=(NTB,),
        in_specs=[
            pl.BlockSpec((TB, D), lambda t: (t, 0)),
            pl.BlockSpec((SFF, D), lambda t: (0, 0)),
            pl.BlockSpec((SFF, D), lambda t: (0, 0)),
            pl.BlockSpec((D, SFF), lambda t: (0, 0)),
        ],
        out_specs=pl.BlockSpec((TB, D), lambda t: (t, 0)),
        out_shape=jax.ShapeDtypeStruct((T, D), jnp.float32),
    )(xb, wsgb, wsub, wsdb)

    xs, rw = _sc_dispatch(PADTOT, x, pos1f, pos2f, w1rep, w2rep)

    o = pl.pallas_call(
        _group_kernel,
        grid_spec=pltpu.PrefetchScalarGridSpec(
            num_scalar_prefetch=1,
            grid=(NB,),
            in_specs=[
                pl.BlockSpec((BLK, D), lambda i, be: (i, 0)),
                pl.BlockSpec((BLK, 128), lambda i, be: (i, 0)),
                pl.BlockSpec((1, FF, D), lambda i, be: (be[i], 0, 0)),
                pl.BlockSpec((1, FF, D), lambda i, be: (be[i], 0, 0)),
                pl.BlockSpec((1, D, FF), lambda i, be: (be[i], 0, 0)),
            ],
            out_specs=pl.BlockSpec((BLK, D), lambda i, be: (i, 0)),
        ),
        out_shape=jax.ShapeDtypeStruct((PADTOT, D), jnp.float32),
    )(bexpf, xs, rw, wgb, wub, wdb)

    y = _sc_combine(o, sh, pos1f, pos2f)
    return y.reshape(orig_shape)

# --- scband reference (transcript-rebuilt; emitter-appended) ---
"""Pipeline reference for scband-flash-deepseek-layer-2585570312830 (READ-ONLY COPY).

The authoritative reference and input builder live on the scoring server;
editing this copy changes nothing except your own understanding.
"""

import jax, jax.numpy as jnp
import numpy as np

D_MODEL = 1024
MOE_FF = 512
SHARED_FF = 1024  # moe_intermediate_size * n_shared_experts
N_EXPERTS = 8
TOP_K = 2
TOKENS = 2048


def setup_inputs(seed: int = 0) -> dict:
    key = jax.random.key(seed)
    ks = jax.random.split(key, 8)
    hidden_states = jax.random.normal(ks[0], (TOKENS, D_MODEL), dtype=jnp.float32)
    gate_w = jax.random.normal(ks[1], (N_EXPERTS, D_MODEL), dtype=jnp.float32) * 0.02
    w_gate = jax.random.normal(ks[2], (N_EXPERTS, MOE_FF, D_MODEL), dtype=jnp.float32) * 0.02
    w_up = jax.random.normal(ks[3], (N_EXPERTS, MOE_FF, D_MODEL), dtype=jnp.float32) * 0.02
    w_down = jax.random.normal(ks[4], (N_EXPERTS, D_MODEL, MOE_FF), dtype=jnp.float32) * 0.02
    ws_gate = jax.random.normal(ks[5], (SHARED_FF, D_MODEL), dtype=jnp.float32) * 0.02
    ws_up = jax.random.normal(ks[6], (SHARED_FF, D_MODEL), dtype=jnp.float32) * 0.02
    ws_down = jax.random.normal(ks[7], (D_MODEL, SHARED_FF), dtype=jnp.float32) * 0.02
    return {
        "hidden_states": hidden_states,
        "gate_w": gate_w,
        "w_gate": w_gate,
        "w_up": w_up,
        "w_down": w_down,
        "ws_gate": ws_gate,
        "ws_up": ws_up,
        "ws_down": ws_down,
    }


def reference(hidden_states, gate_w, w_gate, w_up, w_down, ws_gate, ws_up, ws_down):
    identity = hidden_states
    orig_shape = hidden_states.shape
    x = hidden_states.reshape(-1, orig_shape[-1])
    T = x.shape[0]

    # --- gate: softmax router + top-k (DeepseekMoEGate, softmax scoring) ---
    logits = x @ gate_w.T                       # [T, E]
    scores = jax.nn.softmax(logits, axis=-1)
    topk_weight, topk_idx = jax.lax.top_k(scores, TOP_K)   # [T, k]
    # norm_topk_prob: renormalize selected weights
    topk_weight = topk_weight / (jnp.sum(topk_weight, axis=-1, keepdims=True) + 1e-20)

    # --- moe_infer: scatter top-k weights into dense combine matrix,
    #     apply each routed expert (silu(gate)*up -> down), weighted-sum ---
    combine = jnp.zeros((T, N_EXPERTS), dtype=x.dtype)
    combine = combine.at[jnp.arange(T)[:, None], topk_idx].add(topk_weight)

    g = jnp.einsum('td,efd->tef', x, w_gate)    # [T, E, ff]
    u = jnp.einsum('td,efd->tef', x, w_up)
    h = jax.nn.silu(g) * u
    expert_out = jnp.einsum('tef,edf->ted', h, w_down)      # [T, E, d]
    y = jnp.einsum('te,ted->td', combine, expert_out)       # [T, d]

    # --- shared experts MLP on identity ---
    gs = identity.reshape(-1, orig_shape[-1]) @ ws_gate.T
    us = identity.reshape(-1, orig_shape[-1]) @ ws_up.T
    shared = (jax.nn.silu(gs) * us) @ ws_down.T

    y = y.reshape(orig_shape) + shared.reshape(orig_shape)
    return y

if __name__ == "__main__":
    import jax
    _d = setup_inputs()
    print(jax.jit(kernel)(*tuple(_d.values())))

</pallas_src>

<mosaic_0001>
#map = affine_map<(d0, d1) -> (0, 0)>
#map1 = affine_map<(d0, d1) -> (0)>
module attributes {stable_mosaic.version = 14 : i64} {
  func.func @_dispatch_body(%arg0: i32, %arg1: i32, %arg2: memref<2048x1024xf32, #tpu.memory_space<hbm>>, %arg3: memref<2048xi32, #tpu.memory_space<hbm>>, %arg4: memref<2048xi32, #tpu.memory_space<hbm>>, %arg5: memref<2048x128xf32, #tpu.memory_space<hbm>>, %arg6: memref<2048x128xf32, #tpu.memory_space<hbm>>, %arg7: memref<6144x1024xf32, #tpu.memory_space<hbm>>, %arg8: memref<6144x128xf32, #tpu.memory_space<hbm>>, %arg9: memref<64xi32, #tpu.memory_space<vmem>>, %arg10: memref<64xi32, #tpu.memory_space<vmem>>, %arg11: memref<64x1024xf32, #tpu.memory_space<vmem>>, %arg12: memref<64x128xf32, #tpu.memory_space<vmem>>, %arg13: memref<64x128xf32, #tpu.memory_space<vmem>>, %arg14: memref<!tpu.dma_semaphore, #tpu.memory_space<semaphore_mem>>) attributes {dimension_semantics = [#tpu.dimension_semantics<core_parallel>, #tpu.dimension_semantics<subcore_parallel>], iteration_bounds = array<i64: 2, 16>, scalar_prefetch = 0 : i64, scratch_operands = 6 : i64, tpu.core_type = #tpu.core_type<sc_vector_subcore>, window_params = [{transform_indices = #map}, {transform_indices = #map1}, {transform_indices = #map1}, {transform_indices = #map}, {transform_indices = #map}, {transform_indices = #map}, {transform_indices = #map}]} {
    %mul3A = arith.constant 2 : i32
    %mul3A_0 = arith.muli %arg1, %mul3A : i32
    %add3A = arith.addi %mul3A_0, %arg0 : i32
    %mul3A_1 = arith.constant 64 : i32
    %mul3A_2 = arith.muli %add3A, %mul3A_1 : i32
    %dma_start3A = tpu.memref_slice %arg3[%mul3A_2] : memref<2048xi32, #tpu.memory_space<hbm>> -> memref<64xi32, #tpu.memory_space<hbm>>
    %dma_start3A_3 = tpu.memref_slice %arg3[%mul3A_2] : memref<2048xi32, #tpu.memory_space<hbm>> -> memref<64xi32, #tpu.memory_space<hbm>>
    tpu.enqueue_dma source(%dma_start3A_3 : memref<64xi32, #tpu.memory_space<hbm>>) target(%arg9 : memref<64xi32, #tpu.memory_space<vmem>>) target_semaphore(%arg14 : memref<!tpu.dma_semaphore, #tpu.memory_space<semaphore_mem>>)
    %dma_start3A_4 = tpu.memref_slice %arg4[%mul3A_2] : memref<2048xi32, #tpu.memory_space<hbm>> -> memref<64xi32, #tpu.memory_space<hbm>>
    %dma_start3A_5 = tpu.memref_slice %arg4[%mul3A_2] : memref<2048xi32, #tpu.memory_space<hbm>> -> memref<64xi32, #tpu.memory_space<hbm>>
    tpu.enqueue_dma source(%dma_start3A_5 : memref<64xi32, #tpu.memory_space<hbm>>) target(%arg10 : memref<64xi32, #tpu.memory_space<vmem>>) target_semaphore(%arg14 : memref<!tpu.dma_semaphore, #tpu.memory_space<semaphore_mem>>)
    %dma_start3A_6 = arith.constant 0 : i32
    %dma_start3A_7 = tpu.memref_slice %arg2[%mul3A_2, %dma_start3A_6] : memref<2048x1024xf32, #tpu.memory_space<hbm>> -> memref<64x1024xf32, #tpu.memory_space<hbm>>
    %dma_start3A_8 = arith.constant 0 : i32
    %dma_start3A_9 = tpu.memref_slice %arg2[%mul3A_2, %dma_start3A_8] : memref<2048x1024xf32, #tpu.memory_space<hbm>> -> memref<64x1024xf32, #tpu.memory_space<hbm>>
    tpu.enqueue_dma source(%dma_start3A_9 : memref<64x1024xf32, #tpu.memory_space<hbm>>) target(%arg11 : memref<64x1024xf32, #tpu.memory_space<vmem>>) target_semaphore(%arg14 : memref<!tpu.dma_semaphore, #tpu.memory_space<semaphore_mem>>)
    %dma_start3A_10 = arith.constant 0 : i32
    %dma_start3A_11 = tpu.memref_slice %arg5[%mul3A_2, %dma_start3A_10] : memref<2048x128xf32, #tpu.memory_space<hbm>> -> memref<64x128xf32, #tpu.memory_space<hbm>>
    %dma_start3A_12 = arith.constant 0 : i32
    %dma_start3A_13 = tpu.memref_slice %arg5[%mul3A_2, %dma_start3A_12] : memref<2048x128xf32, #tpu.memory_space<hbm>> -> memref<64x128xf32, #tpu.memory_space<hbm>>
    tpu.enqueue_dma source(%dma_start3A_13 : memref<64x128xf32, #tpu.memory_space<hbm>>) target(%arg12 : memref<64x128xf32, #tpu.memory_space<vmem>>) target_semaphore(%arg14 : memref<!tpu.dma_semaphore, #tpu.memory_space<semaphore_mem>>)
    %dma_start3A_14 = arith.constant 0 : i32
    %dma_start3A_15 = tpu.memref_slice %arg6[%mul3A_2, %dma_start3A_14] : memref<2048x128xf32, #tpu.memory_space<hbm>> -> memref<64x128xf32, #tpu.memory_space<hbm>>
    %dma_start3A_16 = arith.constant 0 : i32
    %dma_start3A_17 = tpu.memref_slice %arg6[%mul3A_2, %dma_start3A_16] : memref<2048x128xf32, #tpu.memory_space<hbm>> -> memref<64x128xf32, #tpu.memory_space<hbm>>
    tpu.enqueue_dma source(%dma_start3A_17 : memref<64x128xf32, #tpu.memory_space<hbm>>) target(%arg13 : memref<64x128xf32, #tpu.memory_space<vmem>>) target_semaphore(%arg14 : memref<!tpu.dma_semaphore, #tpu.memory_space<semaphore_mem>>)
    %dma_wait3A = tpu.memref_slice %arg3[%mul3A_2] : memref<2048xi32, #tpu.memory_space<hbm>> -> memref<64xi32, #tpu.memory_space<hbm>>
    %dma_wait3A_18 = tpu.memref_slice %arg3[%mul3A_2] : memref<2048xi32, #tpu.memory_space<hbm>> -> memref<64xi32, #tpu.memory_space<hbm>>
    tpu.wait_dma2 semaphore(%arg14 : memref<!tpu.dma_semaphore, #tpu.memory_space<semaphore_mem>>) src(%dma_wait3A_18 : memref<64xi32, #tpu.memory_space<hbm>>) dst(%arg9 : memref<64xi32, #tpu.memory_space<vmem>>)
    %dma_wait3A_19 = tpu.memref_slice %arg4[%mul3A_2] : memref<2048xi32, #tpu.memory_space<hbm>> -> memref<64xi32, #tpu.memory_space<hbm>>
    %dma_wait3A_20 = tpu.memref_slice %arg4[%mul3A_2] : memref<2048xi32, #tpu.memory_space<hbm>> -> memref<64xi32, #tpu.memory_space<hbm>>
    tpu.wait_dma2 semaphore(%arg14 : memref<!tpu.dma_semaphore, #tpu.memory_space<semaphore_mem>>) src(%dma_wait3A_20 : memref<64xi32, #tpu.memory_space<hbm>>) dst(%arg10 : memref<64xi32, #tpu.memory_space<vmem>>)
    %dma_wait3A_21 = arith.constant 0 : i32
    %dma_wait3A_22 = tpu.memref_slice %arg2[%mul3A_2, %dma_wait3A_21] : memref<2048x1024xf32, #tpu.memory_space<hbm>> -> memref<64x1024xf32, #tpu.memory_space<hbm>>
    %dma_wait3A_23 = arith.constant 0 : i32
    %dma_wait3A_24 = tpu.memref_slice %arg2[%mul3A_2, %dma_wait3A_23] : memref<2048x1024xf32, #tpu.memory_space<hbm>> -> memref<64x1024xf32, #tpu.memory_space<hbm>>
    tpu.wait_dma2 semaphore(%arg14 : memref<!tpu.dma_semaphore, #tpu.memory_space<semaphore_mem>>) src(%dma_wait3A_24 : memref<64x1024xf32, #tpu.memory_space<hbm>>) dst(%arg11 : memref<64x1024xf32, #tpu.memory_space<vmem>>)
    %dma_wait3A_25 = arith.constant 0 : i32
    %dma_wait3A_26 = tpu.memref_slice %arg5[%mul3A_2, %dma_wait3A_25] : memref<2048x128xf32, #tpu.memory_space<hbm>> -> memref<64x128xf32, #tpu.memory_space<hbm>>
    %dma_wait3A_27 = arith.constant 0 : i32
    %dma_wait3A_28 = tpu.memref_slice %arg5[%mul3A_2, %dma_wait3A_27] : memref<2048x128xf32, #tpu.memory_space<hbm>> -> memref<64x128xf32, #tpu.memory_space<hbm>>
    tpu.wait_dma2 semaphore(%arg14 : memref<!tpu.dma_semaphore, #tpu.memory_space<semaphore_mem>>) src(%dma_wait3A_28 : memref<64x128xf32, #tpu.memory_space<hbm>>) dst(%arg12 : memref<64x128xf32, #tpu.memory_space<vmem>>)
    %dma_wait3A_29 = arith.constant 0 : i32
    %dma_wait3A_30 = tpu.memref_slice %arg6[%mul3A_2, %dma_wait3A_29] : memref<2048x128xf32, #tpu.memory_space<hbm>> -> memref<64x128xf32, #tpu.memory_space<hbm>>
    %dma_wait3A_31 = arith.constant 0 : i32
    %dma_wait3A_32 = tpu.memref_slice %arg6[%mul3A_2, %dma_wait3A_31] : memref<2048x128xf32, #tpu.memory_space<hbm>> -> memref<64x128xf32, #tpu.memory_space<hbm>>
    tpu.wait_dma2 semaphore(%arg14 : memref<!tpu.dma_semaphore, #tpu.memory_space<semaphore_mem>>) src(%dma_wait3A_32 : memref<64x128xf32, #tpu.memory_space<hbm>>) dst(%arg13 : memref<64x128xf32, #tpu.memory_space<vmem>>)
    %dma_start3A_33 = arith.constant 0 : i32
    %dma_start3A_34 = arith.constant 0 : i32
    %dma_start3A_35 = tpu.memref_slice %arg7[%dma_start3A_33, %dma_start3A_34] : memref<6144x1024xf32, #tpu.memory_space<hbm>> -> memref<6144x1024xf32, #tpu.memory_space<hbm>>
    tpu.enqueue_indirect_dma source(%arg11 : memref<64x1024xf32, #tpu.memory_space<vmem>>) target(%dma_start3A_35 : memref<6144x1024xf32, #tpu.memory_space<hbm>>) offsets(%arg9 : memref<64xi32, #tpu.memory_space<vmem>>) semaphore(%arg14 : memref<!tpu.dma_semaphore, #tpu.memory_space<semaphore_mem>>)
    %dma_start3A_36 = arith.constant 0 : i32
    %dma_start3A_37 = arith.constant 0 : i32
    %dma_start3A_38 = tpu.memref_slice %arg7[%dma_start3A_36, %dma_start3A_37] : memref<6144x1024xf32, #tpu.memory_space<hbm>> -> memref<6144x1024xf32, #tpu.memory_space<hbm>>
    tpu.enqueue_indirect_dma source(%arg11 : memref<64x1024xf32, #tpu.memory_space<vmem>>) target(%dma_start3A_38 : memref<6144x1024xf32, #tpu.memory_space<hbm>>) offsets(%arg10 : memref<64xi32, #tpu.memory_space<vmem>>) semaphore(%arg14 : memref<!tpu.dma_semaphore, #tpu.memory_space<semaphore_mem>>)
    %dma_start3A_39 = arith.constant 0 : i32
    %dma_start3A_40 = arith.constant 0 : i32
    %dma_start3A_41 = tpu.memref_slice %arg8[%dma_start3A_39, %dma_start3A_40] : memref<6144x128xf32, #tpu.memory_space<hbm>> -> memref<6144x128xf32, #tpu.memory_space<hbm>>
    tpu.enqueue_indirect_dma source(%arg12 : memref<64x128xf32, #tpu.memory_space<vmem>>) target(%dma_start3A_41 : memref<6144x128xf32, #tpu.memory_space<hbm>>) offsets(%arg9 : memref<64xi32, #tpu.memory_space<vmem>>) semaphore(%arg14 : memref<!tpu.dma_semaphore, #tpu.memory_space<semaphore_mem>>)
    %dma_start3A_42 = arith.constant 0 : i32
    %dma_start3A_43 = arith.constant 0 : i32
    %dma_start3A_44 = tpu.memref_slice %arg8[%dma_start3A_42, %dma_start3A_43] : memref<6144x128xf32, #tpu.memory_space<hbm>> -> memref<6144x128xf32, #tpu.memory_space<hbm>>
    tpu.enqueue_indirect_dma source(%arg13 : memref<64x128xf32, #tpu.memory_space<vmem>>) target(%dma_start3A_44 : memref<6144x128xf32, #tpu.memory_space<hbm>>) offsets(%arg10 : memref<64xi32, #tpu.memory_space<vmem>>) semaphore(%arg14 : memref<!tpu.dma_semaphore, #tpu.memory_space<semaphore_mem>>)
    %dma_wait3A_45 = arith.constant 0 : i32
    %dma_wait3A_46 = arith.constant 0 : i32
    %dma_wait3A_47 = tpu.memref_slice %arg7[%dma_wait3A_45, %dma_wait3A_46] : memref<6144x1024xf32, #tpu.memory_space<hbm>> -> memref<6144x1024xf32, #tpu.memory_space<hbm>>
    tpu.wait_indirect_dma semaphore(%arg14 : memref<!tpu.dma_semaphore, #tpu.memory_space<semaphore_mem>>) src(%arg11 : memref<64x1024xf32, #tpu.memory_space<vmem>>) dst(%dma_wait3A_47 : memref<6144x1024xf32, #tpu.memory_space<hbm>>)
    %dma_wait3A_48 = arith.constant 0 : i32
    %dma_wait3A_49 = arith.constant 0 : i32
    %dma_wait3A_50 = tpu.memref_slice %arg7[%dma_wait3A_48, %dma_wait3A_49] : memref<6144x1024xf32, #tpu.memory_space<hbm>> -> memref<6144x1024xf32, #tpu.memory_space<hbm>>
    tpu.wait_indirect_dma semaphore(%arg14 : memref<!tpu.dma_semaphore, #tpu.memory_space<semaphore_mem>>) src(%arg11 : memref<64x1024xf32, #tpu.memory_space<vmem>>) dst(%dma_wait3A_50 : memref<6144x1024xf32, #tpu.memory_space<hbm>>)
    %dma_wait3A_51 = arith.constant 0 : i32
    %dma_wait3A_52 = arith.constant 0 : i32
    %dma_wait3A_53 = tpu.memref_slice %arg8[%dma_wait3A_51, %dma_wait3A_52] : memref<6144x128xf32, #tpu.memory_space<hbm>> -> memref<6144x128xf32, #tpu.memory_space<hbm>>
    tpu.wait_indirect_dma semaphore(%arg14 : memref<!tpu.dma_semaphore, #tpu.memory_space<semaphore_mem>>) src(%arg12 : memref<64x128xf32, #tpu.memory_space<vmem>>) dst(%dma_wait3A_53 : memref<6144x128xf32, #tpu.memory_space<hbm>>)
    %dma_wait3A_54 = arith.constant 0 : i32
    %dma_wait3A_55 = arith.constant 0 : i32
    %dma_wait3A_56 = tpu.memref_slice %arg8[%dma_wait3A_54, %dma_wait3A_55] : memref<6144x128xf32, #tpu.memory_space<hbm>> -> memref<6144x128xf32, #tpu.memory_space<hbm>>
    tpu.wait_indirect_dma semaphore(%arg14 : memref<!tpu.dma_semaphore, #tpu.memory_space<semaphore_mem>>) src(%arg13 : memref<64x128xf32, #tpu.memory_space<vmem>>) dst(%dma_wait3A_56 : memref<6144x128xf32, #tpu.memory_space<hbm>>)
    return
  }
}

#map = affine_map<(d0, d1) -> (0, 0)>
#map1 = affine_map<(d0, d1) -> (0)>
module attributes {stable_mosaic.version = 14 : i64} {
  func.func @_combine_body(%arg0: i32, %arg1: i32, %arg2: memref<6144x1024xf32, #tpu.memory_space<hbm>>, %arg3: memref<2048x1024xf32, #tpu.memory_space<hbm>>, %arg4: memref<2048xi32, #tpu.memory_space<hbm>>, %arg5: memref<2048xi32, #tpu.memory_space<hbm>>, %arg6: memref<2048x1024xf32, #tpu.memory_space<hbm>>, %arg7: memref<32xi32, #tpu.memory_space<vmem>>, %arg8: memref<32xi32, #tpu.memory_space<vmem>>, %arg9: memref<32x1024xf32, #tpu.memory_space<vmem>>, %arg10: memref<32x1024xf32, #tpu.memory_space<vmem>>, %arg11: memref<32x1024xf32, #tpu.memory_space<vmem>>, %arg12: memref<!tpu.dma_semaphore, #tpu.memory_space<semaphore_mem>>) attributes {dimension_semantics = [#tpu.dimension_semantics<core_parallel>, #tpu.dimension_semantics<subcore_parallel>], iteration_bounds = array<i64: 2, 16>, scalar_prefetch = 0 : i64, scratch_operands = 6 : i64, tpu.core_type = #tpu.core_type<sc_vector_subcore>, window_params = [{transform_indices = #map}, {transform_indices = #map}, {transform_indices = #map1}, {transform_indices = #map1}, {transform_indices = #map}]} {
    %mul3A = arith.constant 2 : i32
    %mul3A_0 = arith.muli %arg1, %mul3A : i32
    %add3A = arith.addi %mul3A_0, %arg0 : i32
    %mul3A_1 = arith.constant 64 : i32
    %mul3A_2 = arith.muli %add3A, %mul3A_1 : i32
    %add3A_3 = arith.constant 0 : i32
    %add3A_4 = arith.addi %mul3A_2, %add3A_3 : i32
    "tpu.region"() ({
      %run_scoped3A = tpu.sem_alloc : memref<!tpu.dma_semaphore, #tpu.memory_space<semaphore_mem>>
      %dma_start3A_52 = tpu.memref_slice %arg4[%add3A_4] : memref<2048xi32, #tpu.memory_space<hbm>> -> memref<32xi32, #tpu.memory_space<hbm>>
      %dma_start3A_53 = tpu.memref_slice %arg4[%add3A_4] : memref<2048xi32, #tpu.memory_space<hbm>> -> memref<32xi32, #tpu.memory_space<hbm>>
      tpu.enqueue_dma source(%dma_start3A_53 : memref<32xi32, #tpu.memory_space<hbm>>) target(%arg7 : memref<32xi32, #tpu.memory_space<vmem>>) target_semaphore(%run_scoped3A : memref<!tpu.dma_semaphore, #tpu.memory_space<semaphore_mem>>)
      %dma_wait3A_54 = tpu.memref_slice %arg4[%add3A_4] : memref<2048xi32, #tpu.memory_space<hbm>> -> memref<32xi32, #tpu.memory_space<hbm>>
      %dma_wait3A_55 = tpu.memref_slice %arg4[%add3A_4] : memref<2048xi32, #tpu.memory_space<hbm>> -> memref<32xi32, #tpu.memory_space<hbm>>
      tpu.wait_dma2 semaphore(%run_scoped3A : memref<!tpu.dma_semaphore, #tpu.memory_space<semaphore_mem>>) src(%dma_wait3A_55 : memref<32xi32, #tpu.memory_space<hbm>>) dst(%arg7 : memref<32xi32, #tpu.memory_space<vmem>>)
      tpu.yield
    }) : () -> ()
    "tpu.region"() ({
      %run_scoped3A = tpu.sem_alloc : memref<!tpu.dma_semaphore, #tpu.memory_space<semaphore_mem>>
      %dma_start3A_52 = tpu.memref_slice %arg5[%add3A_4] : memref<2048xi32, #tpu.memory_space<hbm>> -> memref<32xi32, #tpu.memory_space<hbm>>
      %dma_start3A_53 = tpu.memref_slice %arg5[%add3A_4] : memref<2048xi32, #tpu.memory_space<hbm>> -> memref<32xi32, #tpu.memory_space<hbm>>
      tpu.enqueue_dma source(%dma_start3A_53 : memref<32xi32, #tpu.memory_space<hbm>>) target(%arg8 : memref<32xi32, #tpu.memory_space<vmem>>) target_semaphore(%run_scoped3A : memref<!tpu.dma_semaphore, #tpu.memory_space<semaphore_mem>>)
      %dma_wait3A_54 = tpu.memref_slice %arg5[%add3A_4] : memref<2048xi32, #tpu.memory_space<hbm>> -> memref<32xi32, #tpu.memory_space<hbm>>
      %dma_wait3A_55 = tpu.memref_slice %arg5[%add3A_4] : memref<2048xi32, #tpu.memory_space<hbm>> -> memref<32xi32, #tpu.memory_space<hbm>>
      tpu.wait_dma2 semaphore(%run_scoped3A : memref<!tpu.dma_semaphore, #tpu.memory_space<semaphore_mem>>) src(%dma_wait3A_55 : memref<32xi32, #tpu.memory_space<hbm>>) dst(%arg8 : memref<32xi32, #tpu.memory_space<vmem>>)
      tpu.yield
    }) : () -> ()
    %dma_start3A = arith.constant 0 : i32
    %dma_start3A_5 = arith.constant 0 : i32
    %dma_start3A_6 = tpu.memref_slice %arg2[%dma_start3A, %dma_start3A_5] : memref<6144x1024xf32, #tpu.memory_space<hbm>> -> memref<6144x1024xf32, #tpu.memory_space<hbm>>
    tpu.enqueue_indirect_dma source(%dma_start3A_6 : memref<6144x1024xf32, #tpu.memory_space<hbm>>) target(%arg9 : memref<32x1024xf32, #tpu.memory_space<vmem>>) offsets(%arg7 : memref<32xi32, #tpu.memory_space<vmem>>) semaphore(%arg12 : memref<!tpu.dma_semaphore, #tpu.memory_space<semaphore_mem>>)
    %dma_start3A_7 = arith.constant 0 : i32
    %dma_start3A_8 = arith.constant 0 : i32
    %dma_start3A_9 = tpu.memref_slice %arg2[%dma_start3A_7, %dma_start3A_8] : memref<6144x1024xf32, #tpu.memory_space<hbm>> -> memref<6144x1024xf32, #tpu.memory_space<hbm>>
    tpu.enqueue_indirect_dma source(%dma_start3A_9 : memref<6144x1024xf32, #tpu.memory_space<hbm>>) target(%arg10 : memref<32x1024xf32, #tpu.memory_space<vmem>>) offsets(%arg8 : memref<32xi32, #tpu.memory_space<vmem>>) semaphore(%arg12 : memref<!tpu.dma_semaphore, #tpu.memory_space<semaphore_mem>>)
    %dma_start3A_10 = arith.constant 0 : i32
    %dma_start3A_11 = tpu.memref_slice %arg3[%add3A_4, %dma_start3A_10] : memref<2048x1024xf32, #tpu.memory_space<hbm>> -> memref<32x1024xf32, #tpu.memory_space<hbm>>
    %dma_start3A_12 = arith.constant 0 : i32
    %dma_start3A_13 = tpu.memref_slice %arg3[%add3A_4, %dma_start3A_12] : memref<2048x1024xf32, #tpu.memory_space<hbm>> -> memref<32x1024xf32, #tpu.memory_space<hbm>>
    tpu.enqueue_dma source(%dma_start3A_13 : memref<32x1024xf32, #tpu.memory_space<hbm>>) target(%arg11 : memref<32x1024xf32, #tpu.memory_space<vmem>>) target_semaphore(%arg12 : memref<!tpu.dma_semaphore, #tpu.memory_space<semaphore_mem>>)
    %dma_wait3A = arith.constant 0 : i32
    %dma_wait3A_14 = arith.constant 0 : i32
    %dma_wait3A_15 = tpu.memref_slice %arg2[%dma_wait3A, %dma_wait3A_14] : memref<6144x1024xf32, #tpu.memory_space<hbm>> -> memref<6144x1024xf32, #tpu.memory_space<hbm>>
    tpu.wait_indirect_dma semaphore(%arg12 : memref<!tpu.dma_semaphore, #tpu.memory_space<semaphore_mem>>) src(%dma_wait3A_15 : memref<6144x1024xf32, #tpu.memory_space<hbm>>) dst(%arg9 : memref<32x1024xf32, #tpu.memory_space<vmem>>)
    %dma_wait3A_16 = arith.constant 0 : i32
    %dma_wait3A_17 = arith.constant 0 : i32
    %dma_wait3A_18 = tpu.memref_slice %arg2[%dma_wait3A_16, %dma_wait3A_17] : memref<6144x1024xf32, #tpu.memory_space<hbm>> -> memref<6144x1024xf32, #tpu.memory_space<hbm>>
    tpu.wait_indirect_dma semaphore(%arg12 : memref<!tpu.dma_semaphore, #tpu.memory_space<semaphore_mem>>) src(%dma_wait3A_18 : memref<6144x1024xf32, #tpu.memory_space<hbm>>) dst(%arg10 : memref<32x1024xf32, #tpu.memory_space<vmem>>)
    %dma_wait3A_19 = arith.constant 0 : i32
    %dma_wait3A_20 = tpu.memref_slice %arg3[%add3A_4, %dma_wait3A_19] : memref<2048x1024xf32, #tpu.memory_space<hbm>> -> memref<32x1024xf32, #tpu.memory_space<hbm>>
    %dma_wait3A_21 = arith.constant 0 : i32
    %dma_wait3A_22 = tpu.memref_slice %arg3[%add3A_4, %dma_wait3A_21] : memref<2048x1024xf32, #tpu.memory_space<hbm>> -> memref<32x1024xf32, #tpu.memory_space<hbm>>
    tpu.wait_dma2 semaphore(%arg12 : memref<!tpu.dma_semaphore, #tpu.memory_space<semaphore_mem>>) src(%dma_wait3A_22 : memref<32x1024xf32, #tpu.memory_space<hbm>>) dst(%arg11 : memref<32x1024xf32, #tpu.memory_space<vmem>>)
    %parallel_loop3A = arith.constant 0 : i32
    %parallel_loop3A_23 = arith.constant 2048 : i32
    %parallel_loop3A_24 = arith.constant 1 : i32
    scf.for %parallel_loop3A_52 = %parallel_loop3A to %parallel_loop3A_23 step %parallel_loop3A_24  : i32 {
      %parallel_loop3A_53 = arith.constant 64 : i32
      %parallel_loop3A_54 = arith.divsi %parallel_loop3A_52, %parallel_loop3A_53 : i32
      %parallel_loop3A_55 = arith.constant 0 : i32
      %parallel_loop3A_56 = arith.cmpi sgt, %parallel_loop3A_52, %parallel_loop3A_55 : i32
      %parallel_loop3A_57 = arith.extui %parallel_loop3A_56 : i1 to i32
      %parallel_loop3A_58 = arith.constant 0 : i32
      %parallel_loop3A_59 = arith.cmpi slt, %parallel_loop3A_52, %parallel_loop3A_58 : i32
      %parallel_loop3A_60 = arith.extui %parallel_loop3A_59 : i1 to i32
      %parallel_loop3A_61 = arith.subi %parallel_loop3A_57, %parallel_loop3A_60 : i32
      %parallel_loop3A_62 = arith.constant 0 : i32
      %parallel_loop3A_63 = arith.cmpi sgt, %parallel_loop3A_53, %parallel_loop3A_62 : i32
      %parallel_loop3A_64 = arith.extui %parallel_loop3A_63 : i1 to i32
      %parallel_loop3A_65 = arith.constant 0 : i32
      %parallel_loop3A_66 = arith.cmpi slt, %parallel_loop3A_53, %parallel_loop3A_65 : i32
      %parallel_loop3A_67 = arith.extui %parallel_loop3A_66 : i1 to i32
      %parallel_loop3A_68 = arith.subi %parallel_loop3A_64, %parallel_loop3A_67 : i32
      %parallel_loop3A_69 = arith.cmpi ne, %parallel_loop3A_61, %parallel_loop3A_68 : i32
      %parallel_loop3A_70 = arith.remsi %parallel_loop3A_52, %parallel_loop3A_53 : i32
      %parallel_loop3A_71 = arith.constant 0 : i32
      %parallel_loop3A_72 = arith.cmpi ne, %parallel_loop3A_70, %parallel_loop3A_71 : i32
      %parallel_loop3A_73 = arith.andi %parallel_loop3A_69, %parallel_loop3A_72 : i1
      %parallel_loop3A_74 = arith.constant 1 : i32
      %parallel_loop3A_75 = arith.subi %parallel_loop3A_54, %parallel_loop3A_74 : i32
      %parallel_loop3A_76 = arith.select %parallel_loop3A_73, %parallel_loop3A_75, %parallel_loop3A_54 : i32
      %parallel_loop3A_77 = arith.constant 64 : i32
      %parallel_loop3A_78 = arith.constant 0 : i32
      %parallel_loop3A_79 = arith.cmpi eq, %parallel_loop3A_77, %parallel_loop3A_78 : i32
      %parallel_loop3A_80 = arith.constant 1 : i32
      %parallel_loop3A_81 = arith.select %parallel_loop3A_79, %parallel_loop3A_80, %parallel_loop3A_77 : i32
      %parallel_loop3A_82 = arith.remsi %parallel_loop3A_52, %parallel_loop3A_81 : i32
      %parallel_loop3A_83 = arith.constant 0 : i32
      %parallel_loop3A_84 = arith.cmpi ne, %parallel_loop3A_82, %parallel_loop3A_83 : i32
      %parallel_loop3A_85 = arith.constant 0 : i32
      %parallel_loop3A_86 = arith.cmpi slt, %parallel_loop3A_82, %parallel_loop3A_85 : i32
      %parallel_loop3A_87 = arith.constant 0 : i32
      %parallel_loop3A_88 = arith.cmpi slt, %parallel_loop3A_81, %parallel_loop3A_87 : i32
      %parallel_loop3A_89 = arith.xori %parallel_loop3A_86, %parallel_loop3A_88 : i1
      %parallel_loop3A_90 = arith.andi %parallel_loop3A_89, %parallel_loop3A_84 : i1
      %parallel_loop3A_91 = arith.addi %parallel_loop3A_82, %parallel_loop3A_81 : i32
      %parallel_loop3A_92 = arith.select %parallel_loop3A_90, %parallel_loop3A_91, %parallel_loop3A_82 : i32
      %parallel_loop3A_93 = arith.constant 16 : i32
      %parallel_loop3A_94 = arith.muli %parallel_loop3A_92, %parallel_loop3A_93 : i32
      %parallel_loop3A_95 = arith.index_cast %parallel_loop3A_76 : i32 to index
      %parallel_loop3A_96 = arith.index_cast %parallel_loop3A_94 : i32 to index
      %parallel_loop3A_97 = tpu.vector_load %arg11[%parallel_loop3A_95, %parallel_loop3A_96] {strides = array<i32>} : memref<32x1024xf32, #tpu.memory_space<vmem>>, vector<1x16xf32>,
      %parallel_loop3A_98 = vector.shape_cast %parallel_loop3A_97 : vector<1x16xf32> to vector<16xf32>
      %parallel_loop3A_99 = arith.index_cast %parallel_loop3A_76 : i32 to index
      %parallel_loop3A_100 = arith.index_cast %parallel_loop3A_94 : i32 to index
      %parallel_loop3A_101 = tpu.vector_load %arg9[%parallel_loop3A_99, %parallel_loop3A_100] {strides = array<i32>} : memref<32x1024xf32, #tpu.memory_space<vmem>>, vector<1x16xf32>,
      %parallel_loop3A_102 = vector.shape_cast %parallel_loop3A_101 : vector<1x16xf32> to vector<16xf32>
      %parallel_loop3A_103 = arith.addf %parallel_loop3A_98, %parallel_loop3A_102 : vector<16xf32>
      %parallel_loop3A_104 = arith.index_cast %parallel_loop3A_76 : i32 to index
      %parallel_loop3A_105 = arith.index_cast %parallel_loop3A_94 : i32 to index
      %parallel_loop3A_106 = tpu.vector_load %arg10[%parallel_loop3A_104, %parallel_loop3A_105] {strides = array<i32>} : memref<32x1024xf32, #tpu.memory_space<vmem>>, vector<1x16xf32>,
      %parallel_loop3A_107 = vector.shape_cast %parallel_loop3A_106 : vector<1x16xf32> to vector<16xf32>
      %parallel_loop3A_108 = arith.addf %parallel_loop3A_103, %parallel_loop3A_107 : vector<16xf32>
      %parallel_loop3A_109 = arith.index_cast %parallel_loop3A_76 : i32 to index
      %parallel_loop3A_110 = arith.index_cast %parallel_loop3A_94 : i32 to index
      %parallel_loop3A_111 = tpu.vector_load %arg11[%parallel_loop3A_109, %parallel_loop3A_110] {strides = array<i32>} : memref<32x1024xf32, #tpu.memory_space<vmem>>, vector<1x16xf32>,
      %parallel_loop3A_112 = vector.shape_cast %parallel_loop3A_111 : vector<1x16xf32> to vector<16xf32>
      %parallel_loop3A_113 = vector.shape_cast %parallel_loop3A_108 : vector<16xf32> to vector<1x16xf32>
      tpu.vector_store %arg11[%parallel_loop3A_109, %parallel_loop3A_110], %parallel_loop3A_113 {strides = array<i32>} : memref<32x1024xf32, #tpu.memory_space<vmem>>, vector<1x16xf32>,
    } {sc.loop_unroll_factor = 8 : i64, sc.parallel_access}
    "tpu.region"() ({
      %run_scoped3A = tpu.sem_alloc : memref<!tpu.dma_semaphore, #tpu.memory_space<semaphore_mem>>
      %dma_start3A_52 = arith.constant 0 : i32
      %dma_start3A_53 = tpu.memref_slice %arg6[%add3A_4, %dma_start3A_52] : memref<2048x1024xf32, #tpu.memory_space<hbm>> -> memref<32x1024xf32, #tpu.memory_space<hbm>>
      %dma_start3A_54 = arith.constant 0 : i32
      %dma_start3A_55 = tpu.memref_slice %arg6[%add3A_4, %dma_start3A_54] : memref<2048x1024xf32, #tpu.memory_space<hbm>> -> memref<32x1024xf32, #tpu.memory_space<hbm>>
      tpu.enqueue_dma source(%arg11 : memref<32x1024xf32, #tpu.memory_space<vmem>>) target(%dma_start3A_55 : memref<32x1024xf32, #tpu.memory_space<hbm>>) target_semaphore(%run_scoped3A : memref<!tpu.dma_semaphore, #tpu.memory_space<semaphore_mem>>)
      %dma_wait3A_56 = arith.constant 0 : i32
      %dma_wait3A_57 = tpu.memref_slice %arg6[%add3A_4, %dma_wait3A_56] : memref<2048x1024xf32, #tpu.memory_space<hbm>> -> memref<32x1024xf32, #tpu.memory_space<hbm>>
      %dma_wait3A_58 = arith.constant 0 : i32
      %dma_wait3A_59 = tpu.memref_slice %arg6[%add3A_4, %dma_wait3A_58] : memref<2048x1024xf32, #tpu.memory_space<hbm>> -> memref<32x1024xf32, #tpu.memory_space<hbm>>
      tpu.wait_dma2 semaphore(%run_scoped3A : memref<!tpu.dma_semaphore, #tpu.memory_space<semaphore_mem>>) src(%arg11 : memref<32x1024xf32, #tpu.memory_space<vmem>>) dst(%dma_wait3A_59 : memref<32x1024xf32, #tpu.memory_space<hbm>>)
      tpu.yield
    }) : () -> ()
    %mul3A_25 = arith.constant 64 : i32
    %mul3A_26 = arith.muli %add3A, %mul3A_25 : i32
    %add3A_27 = arith.constant 32 : i32
    %add3A_28 = arith.addi %mul3A_26, %add3A_27 : i32
    "tpu.region"() ({
      %run_scoped3A = tpu.sem_alloc : memref<!tpu.dma_semaphore, #tpu.memory_space<semaphore_mem>>
      %dma_start3A_52 = tpu.memref_slice %arg4[%add3A_28] : memref<2048xi32, #tpu.memory_space<hbm>> -> memref<32xi32, #tpu.memory_space<hbm>>
      %dma_start3A_53 = tpu.memref_slice %arg4[%add3A_28] : memref<2048xi32, #tpu.memory_space<hbm>> -> memref<32xi32, #tpu.memory_space<hbm>>
      tpu.enqueue_dma source(%dma_start3A_53 : memref<32xi32, #tpu.memory_space<hbm>>) target(%arg7 : memref<32xi32, #tpu.memory_space<vmem>>) target_semaphore(%run_scoped3A : memref<!tpu.dma_semaphore, #tpu.memory_space<semaphore_mem>>)
      %dma_wait3A_54 = tpu.memref_slice %arg4[%add3A_28] : memref<2048xi32, #tpu.memory_space<hbm>> -> memref<32xi32, #tpu.memory_space<hbm>>
      %dma_wait3A_55 = tpu.memref_slice %arg4[%add3A_28] : memref<2048xi32, #tpu.memory_space<hbm>> -> memref<32xi32, #tpu.memory_space<hbm>>
      tpu.wait_dma2 semaphore(%run_scoped3A : memref<!tpu.dma_semaphore, #tpu.memory_space<semaphore_mem>>) src(%dma_wait3A_55 : memref<32xi32, #tpu.memory_space<hbm>>) dst(%arg7 : memref<32xi32, #tpu.memory_space<vmem>>)
      tpu.yield
    }) : () -> ()
    "tpu.region"() ({
      %run_scoped3A = tpu.sem_alloc : memref<!tpu.dma_semaphore, #tpu.memory_space<semaphore_mem>>
      %dma_start3A_52 = tpu.memref_slice %arg5[%add3A_28] : memref<2048xi32, #tpu.memory_space<hbm>> -> memref<32xi32, #tpu.memory_space<hbm>>
      %dma_start3A_53 = tpu.memref_slice %arg5[%add3A_28] : memref<2048xi32, #tpu.memory_space<hbm>> -> memref<32xi32, #tpu.memory_space<hbm>>
      tpu.enqueue_dma source(%dma_start3A_53 : memref<32xi32, #tpu.memory_space<hbm>>) target(%arg8 : memref<32xi32, #tpu.memory_space<vmem>>) target_semaphore(%run_scoped3A : memref<!tpu.dma_semaphore, #tpu.memory_space<semaphore_mem>>)
      %dma_wait3A_54 = tpu.memref_slice %arg5[%add3A_28] : memref<2048xi32, #tpu.memory_space<hbm>> -> memref<32xi32, #tpu.memory_space<hbm>>
      %dma_wait3A_55 = tpu.memref_slice %arg5[%add3A_28] : memref<2048xi32, #tpu.memory_space<hbm>> -> memref<32xi32, #tpu.memory_space<hbm>>
      tpu.wait_dma2 semaphore(%run_scoped3A : memref<!tpu.dma_semaphore, #tpu.memory_space<semaphore_mem>>) src(%dma_wait3A_55 : memref<32xi32, #tpu.memory_space<hbm>>) dst(%arg8 : memref<32xi32, #tpu.memory_space<vmem>>)
      tpu.yield
    }) : () -> ()
    %dma_start3A_29 = arith.constant 0 : i32
    %dma_start3A_30 = arith.constant 0 : i32
    %dma_start3A_31 = tpu.memref_slice %arg2[%dma_start3A_29, %dma_start3A_30] : memref<6144x1024xf32, #tpu.memory_space<hbm>> -> memref<6144x1024xf32, #tpu.memory_space<hbm>>
    tpu.enqueue_indirect_dma source(%dma_start3A_31 : memref<6144x1024xf32, #tpu.memory_space<hbm>>) target(%arg9 : memref<32x1024xf32, #tpu.memory_space<vmem>>) offsets(%arg7 : memref<32xi32, #tpu.memory_space<vmem>>) semaphore(%arg12 : memref<!tpu.dma_semaphore, #tpu.memory_space<semaphore_mem>>)
    %dma_start3A_32 = arith.constant 0 : i32
    %dma_start3A_33 = arith.constant 0 : i32
    %dma_start3A_34 = tpu.memref_slice %arg2[%dma_start3A_32, %dma_start3A_33] : memref<6144x1024xf32, #tpu.memory_space<hbm>> -> memref<6144x1024xf32, #tpu.memory_space<hbm>>
    tpu.enqueue_indirect_dma source(%dma_start3A_34 : memref<6144x1024xf32, #tpu.memory_space<hbm>>) target(%arg10 : memref<32x1024xf32, #tpu.memory_space<vmem>>) offsets(%arg8 : memref<32xi32, #tpu.memory_space<vmem>>) semaphore(%arg12 : memref<!tpu.dma_semaphore, #tpu.memory_space<semaphore_mem>>)
    %dma_start3A_35 = arith.constant 0 : i32
    %dma_start3A_36 = tpu.memref_slice %arg3[%add3A_28, %dma_start3A_35] : memref<2048x1024xf32, #tpu.memory_space<hbm>> -> memref<32x1024xf32, #tpu.memory_space<hbm>>
    %dma_start3A_37 = arith.constant 0 : i32
    %dma_start3A_38 = tpu.memref_slice %arg3[%add3A_28, %dma_start3A_37] : memref<2048x1024xf32, #tpu.memory_space<hbm>> -> memref<32x1024xf32, #tpu.memory_space<hbm>>
    tpu.enqueue_dma source(%dma_start3A_38 : memref<32x1024xf32, #tpu.memory_space<hbm>>) target(%arg11 : memref<32x1024xf32, #tpu.memory_space<vmem>>) target_semaphore(%arg12 : memref<!tpu.dma_semaphore, #tpu.memory_space<semaphore_mem>>)
    %dma_wait3A_39 = arith.constant 0 : i32
    %dma_wait3A_40 = arith.constant 0 : i32
    %dma_wait3A_41 = tpu.memref_slice %arg2[%dma_wait3A_39, %dma_wait3A_40] : memref<6144x1024xf32, #tpu.memory_space<hbm>> -> memref<6144x1024xf32, #tpu.memory_space<hbm>>
    tpu.wait_indirect_dma semaphore(%arg12 : memref<!tpu.dma_semaphore, #tpu.memory_space<semaphore_mem>>) src(%dma_wait3A_41 : memref<6144x1024xf32, #tpu.memory_space<hbm>>) dst(%arg9 : memref<32x1024xf32, #tpu.memory_space<vmem>>)
    %dma_wait3A_42 = arith.constant 0 : i32
    %dma_wait3A_43 = arith.constant 0 : i32
    %dma_wait3A_44 = tpu.memref_slice %arg2[%dma_wait3A_42, %dma_wait3A_43] : memref<6144x1024xf32, #tpu.memory_space<hbm>> -> memref<6144x1024xf32, #tpu.memory_space<hbm>>
    tpu.wait_indirect_dma semaphore(%arg12 : memref<!tpu.dma_semaphore, #tpu.memory_space<semaphore_mem>>) src(%dma_wait3A_44 : memref<6144x1024xf32, #tpu.memory_space<hbm>>) dst(%arg10 : memref<32x1024xf32, #tpu.memory_space<vmem>>)
    %dma_wait3A_45 = arith.constant 0 : i32
    %dma_wait3A_46 = tpu.memref_slice %arg3[%add3A_28, %dma_wait3A_45] : memref<2048x1024xf32, #tpu.memory_space<hbm>> -> memref<32x1024xf32, #tpu.memory_space<hbm>>
    %dma_wait3A_47 = arith.constant 0 : i32
    %dma_wait3A_48 = tpu.memref_slice %arg3[%add3A_28, %dma_wait3A_47] : memref<2048x1024xf32, #tpu.memory_space<hbm>> -> memref<32x1024xf32, #tpu.memory_space<hbm>>
    tpu.wait_dma2 semaphore(%arg12 : memref<!tpu.dma_semaphore, #tpu.memory_space<semaphore_mem>>) src(%dma_wait3A_48 : memref<32x1024xf32, #tpu.memory_space<hbm>>) dst(%arg11 : memref<32x1024xf32, #tpu.memory_space<vmem>>)
    %parallel_loop3A_49 = arith.constant 0 : i32
    %parallel_loop3A_50 = arith.constant 2048 : i32
    %parallel_loop3A_51 = arith.constant 1 : i32
    scf.for %parallel_loop3A_52 = %parallel_loop3A_49 to %parallel_loop3A_50 step %parallel_loop3A_51  : i32 {
      %parallel_loop3A_53 = arith.constant 64 : i32
      %parallel_loop3A_54 = arith.divsi %parallel_loop3A_52, %parallel_loop3A_53 : i32
      %parallel_loop3A_55 = arith.constant 0 : i32
      %parallel_loop3A_56 = arith.cmpi sgt, %parallel_loop3A_52, %parallel_loop3A_55 : i32
      %parallel_loop3A_57 = arith.extui %parallel_loop3A_56 : i1 to i32
      %parallel_loop3A_58 = arith.constant 0 : i32
      %parallel_loop3A_59 = arith.cmpi slt, %parallel_loop3A_52, %parallel_loop3A_58 : i32
      %parallel_loop3A_60 = arith.extui %parallel_loop3A_59 : i1 to i32
      %parallel_loop3A_61 = arith.subi %parallel_loop3A_57, %parallel_loop3A_60 : i32
      %parallel_loop3A_62 = arith.constant 0 : i32
      %parallel_loop3A_63 = arith.cmpi sgt, %parallel_loop3A_53, %parallel_loop3A_62 : i32
      %parallel_loop3A_64 = arith.extui %parallel_loop3A_63 : i1 to i32
      %parallel_loop3A_65 = arith.constant 0 : i32
      %parallel_loop3A_66 = arith.cmpi slt, %parallel_loop3A_53, %parallel_loop3A_65 : i32
      %parallel_loop3A_67 = arith.extui %parallel_loop3A_66 : i1 to i32
      %parallel_loop3A_68 = arith.subi %parallel_loop3A_64, %parallel_loop3A_67 : i32
      %parallel_loop3A_69 = arith.cmpi ne, %parallel_loop3A_61, %parallel_loop3A_68 : i32
      %parallel_loop3A_70 = arith.remsi %parallel_loop3A_52, %parallel_loop3A_53 : i32
      %parallel_loop3A_71 = arith.constant 0 : i32
      %parallel_loop3A_72 = arith.cmpi ne, %parallel_loop3A_70, %parallel_loop3A_71 : i32
      %parallel_loop3A_73 = arith.andi %parallel_loop3A_69, %parallel_loop3A_72 : i1
      %parallel_loop3A_74 = arith.constant 1 : i32
      %parallel_loop3A_75 = arith.subi %parallel_loop3A_54, %parallel_loop3A_74 : i32
      %parallel_loop3A_76 = arith.select %parallel_loop3A_73, %parallel_loop3A_75, %parallel_loop3A_54 : i32
      %parallel_loop3A_77 = arith.constant 64 : i32
      %parallel_loop3A_78 = arith.constant 0 : i32
      %parallel_loop3A_79 = arith.cmpi eq, %parallel_loop3A_77, %parallel_loop3A_78 : i32
      %parallel_loop3A_80 = arith.constant 1 : i32
      %parallel_loop3A_81 = arith.select %parallel_loop3A_79, %parallel_loop3A_80, %parallel_loop3A_77 : i32
      %parallel_loop3A_82 = arith.remsi %parallel_loop3A_52, %parallel_loop3A_81 : i32
      %parallel_loop3A_83 = arith.constant 0 : i32
      %parallel_loop3A_84 = arith.cmpi ne, %parallel_loop3A_82, %parallel_loop3A_83 : i32
      %parallel_loop3A_85 = arith.constant 0 : i32
      %parallel_loop3A_86 = arith.cmpi slt, %parallel_loop3A_82, %parallel_loop3A_85 : i32
      %parallel_loop3A_87 = arith.constant 0 : i32
      %parallel_loop3A_88 = arith.cmpi slt, %parallel_loop3A_81, %parallel_loop3A_87 : i32
      %parallel_loop3A_89 = arith.xori %parallel_loop3A_86, %parallel_loop3A_88 : i1
      %parallel_loop3A_90 = arith.andi %parallel_loop3A_89, %parallel_loop3A_84 : i1
      %parallel_loop3A_91 = arith.addi %parallel_loop3A_82, %parallel_loop3A_81 : i32
      %parallel_loop3A_92 = arith.select %parallel_loop3A_90, %parallel_loop3A_91, %parallel_loop3A_82 : i32
      %parallel_loop3A_93 = arith.constant 16 : i32
      %parallel_loop3A_94 = arith.muli %parallel_loop3A_92, %parallel_loop3A_93 : i32
      %parallel_loop3A_95 = arith.index_cast %parallel_loop3A_76 : i32 to index
      %parallel_loop3A_96 = arith.index_cast %parallel_loop3A_94 : i32 to index
      %parallel_loop3A_97 = tpu.vector_load %arg11[%parallel_loop3A_95, %parallel_loop3A_96] {strides = array<i32>} : memref<32x1024xf32, #tpu.memory_space<vmem>>, vector<1x16xf32>,
      %parallel_loop3A_98 = vector.shape_cast %parallel_loop3A_97 : vector<1x16xf32> to vector<16xf32>
      %parallel_loop3A_99 = arith.index_cast %parallel_loop3A_76 : i32 to index
      %parallel_loop3A_100 = arith.index_cast %parallel_loop3A_94 : i32 to index
      %parallel_loop3A_101 = tpu.vector_load %arg9[%parallel_loop3A_99, %parallel_loop3A_100] {strides = array<i32>} : memref<32x1024xf32, #tpu.memory_space<vmem>>, vector<1x16xf32>,
      %parallel_loop3A_102 = vector.shape_cast %parallel_loop3A_101 : vector<1x16xf32> to vector<16xf32>
      %parallel_loop3A_103 = arith.addf %parallel_loop3A_98, %parallel_loop3A_102 : vector<16xf32>
      %parallel_loop3A_104 = arith.index_cast %parallel_loop3A_76 : i32 to index
      %parallel_loop3A_105 = arith.index_cast %parallel_loop3A_94 : i32 to index
      %parallel_loop3A_106 = tpu.vector_load %arg10[%parallel_loop3A_104, %parallel_loop3A_105] {strides = array<i32>} : memref<32x1024xf32, #tpu.memory_space<vmem>>, vector<1x16xf32>,
      %parallel_loop3A_107 = vector.shape_cast %parallel_loop3A_106 : vector<1x16xf32> to vector<16xf32>
      %parallel_loop3A_108 = arith.addf %parallel_loop3A_103, %parallel_loop3A_107 : vector<16xf32>
      %parallel_loop3A_109 = arith.index_cast %parallel_loop3A_76 : i32 to index
      %parallel_loop3A_110 = arith.index_cast %parallel_loop3A_94 : i32 to index
      %parallel_loop3A_111 = tpu.vector_load %arg11[%parallel_loop3A_109, %parallel_loop3A_110] {strides = array<i32>} : memref<32x1024xf32, #tpu.memory_space<vmem>>, vector<1x16xf32>,
      %parallel_loop3A_112 = vector.shape_cast %parallel_loop3A_111 : vector<1x16xf32> to vector<16xf32>
      %parallel_loop3A_113 = vector.shape_cast %parallel_loop3A_108 : vector<16xf32> to vector<1x16xf32>
      tpu.vector_store %arg11[%parallel_loop3A_109, %parallel_loop3A_110], %parallel_loop3A_113 {strides = array<i32>} : memref<32x1024xf32, #tpu.memory_space<vmem>>, vector<1x16xf32>,
    } {sc.loop_unroll_factor = 8 : i64, sc.parallel_access}
    "tpu.region"() ({
      %run_scoped3A = tpu.sem_alloc : memref<!tpu.dma_semaphore, #tpu.memory_space<semaphore_mem>>
      %dma_start3A_52 = arith.constant 0 : i32
      %dma_start3A_53 = tpu.memref_slice %arg6[%add3A_28, %dma_start3A_52] : memref<2048x1024xf32, #tpu.memory_space<hbm>> -> memref<32x1024xf32, #tpu.memory_space<hbm>>
      %dma_start3A_54 = arith.constant 0 : i32
      %dma_start3A_55 = tpu.memref_slice %arg6[%add3A_28, %dma_start3A_54] : memref<2048x1024xf32, #tpu.memory_space<hbm>> -> memref<32x1024xf32, #tpu.memory_space<hbm>>
      tpu.enqueue_dma source(%arg11 : memref<32x1024xf32, #tpu.memory_space<vmem>>) target(%dma_start3A_55 : memref<32x1024xf32, #tpu.memory_space<hbm>>) target_semaphore(%run_scoped3A : memref<!tpu.dma_semaphore, #tpu.memory_space<semaphore_mem>>)
      %dma_wait3A_56 = arith.constant 0 : i32
      %dma_wait3A_57 = tpu.memref_slice %arg6[%add3A_28, %dma_wait3A_56] : memref<2048x1024xf32, #tpu.memory_space<hbm>> -> memref<32x1024xf32, #tpu.memory_space<hbm>>
      %dma_wait3A_58 = arith.constant 0 : i32
      %dma_wait3A_59 = tpu.memref_slice %arg6[%add3A_28, %dma_wait3A_58] : memref<2048x1024xf32, #tpu.memory_space<hbm>> -> memref<32x1024xf32, #tpu.memory_space<hbm>>
      tpu.wait_dma2 semaphore(%run_scoped3A : memref<!tpu.dma_semaphore, #tpu.memory_space<semaphore_mem>>) src(%arg11 : memref<32x1024xf32, #tpu.memory_space<vmem>>) dst(%dma_wait3A_59 : memref<32x1024xf32, #tpu.memory_space<hbm>>)
      tpu.yield
    }) : () -> ()
    return
  }
}

module attributes {stable_mosaic.version = 14 : i64} {
  func.func @_plan_kernel(%arg0: memref<2048x1024xf32, #tpu.memory_space<vmem>>, %arg1: memref<8x1024xf32, #tpu.memory_space<vmem>>, %arg2: memref<2048x1xi32, #tpu.memory_space<vmem>>, %arg3: memref<2048x1xi32, #tpu.memory_space<vmem>>, %arg4: memref<2048x128xf32, #tpu.memory_space<vmem>>, %arg5: memref<2048x128xf32, #tpu.memory_space<vmem>>, %arg6: memref<24x1xi32, #tpu.memory_space<vmem>>) attributes {dimension_semantics = [], scalar_prefetch = 0 : i64, scratch_operands = 0 : i64, tpu.core_type = #tpu.core_type<tc>} {
    %get3A = arith.constant 0 : index
    %get3A_0 = arith.constant 0 : index
    %get3A_1 = vector.load %arg0[%get3A, %get3A_0] : memref<2048x1024xf32, #tpu.memory_space<vmem>>, vector<2048x1024xf32>
    %convert_element_type3A = arith.truncf %get3A_1 : vector<2048x1024xf32> to vector<2048x1024xbf16>
    %get3A_2 = arith.constant 0 : index
    %get3A_3 = arith.constant 0 : index
    %get3A_4 = vector.load %arg1[%get3A_2, %get3A_3] : memref<8x1024xf32, #tpu.memory_space<vmem>>, vector<8x1024xf32>
    %convert_element_type3A_5 = arith.truncf %get3A_4 : vector<8x1024xf32> to vector<8x1024xbf16>
    %dot_general3A = arith.constant dense<0.000000e+00> : vector<2048x8xf32>
    %dot_general3A_6 = tpu.matmul %convert_element_type3A, %convert_element_type3A_5, %dot_general3A {dimension_numbers = #tpu.dot_dimension_numbers<[1], [1], [0], [0], [0, 0, 1, 0], [], []>, transpose_lhs_hint = false} : vector<2048x1024xbf16>, vector<8x1024xbf16>, vector<2048x8xf32> -> vector<2048x8xf32>
    %iota3A = tpu.iota {dimensions = array<i32: 1>} : vector<2048x8xi32>
    %reduce_max3A = arith.constant dense<0xFF800000> : vector<2048xf32>
    %reduce_max3A_7 = vector.multi_reduction <maximumf>, %dot_general3A_6, %reduce_max3A [1] : vector<2048x8xf32> to vector<2048xf32>
    %broadcast_in_dim3A = vector.shape_cast %reduce_max3A_7 : vector<2048xf32> to vector<2048x1xf32>
    %eq3A = vector.broadcast %broadcast_in_dim3A : vector<2048x1xf32> to vector<2048x8xf32>
    %eq3A_8 = arith.cmpf oeq, %dot_general3A_6, %eq3A : vector<2048x8xf32>
    %jit3A = arith.constant 8 : i32
    %broadcast_in_dim3A_9 = vector.broadcast %jit3A : i32 to vector<2048x8xi32>
    %select_n3A = arith.select %eq3A_8, %iota3A, %broadcast_in_dim3A_9 : vector<2048x8xi1>, vector<2048x8xi32>
    %reduce_min3A = arith.constant dense<2147483647> : vector<2048xi32>
    %reduce_min3A_10 = vector.multi_reduction <minsi>, %select_n3A, %reduce_min3A [1] : vector<2048x8xi32> to vector<2048xi32>
    %broadcast_in_dim3A_11 = vector.shape_cast %reduce_min3A_10 : vector<2048xi32> to vector<2048x1xi32>
    %eq3A_12 = vector.broadcast %broadcast_in_dim3A_11 : vector<2048x1xi32> to vector<2048x8xi32>
    %eq3A_13 = arith.cmpi eq, %iota3A, %eq3A_12 : vector<2048x8xi32>
    %jit3A_14 = arith.constant 0xFF800000 : f32
    %broadcast_in_dim3A_15 = vector.broadcast %jit3A_14 : f32 to vector<2048x8xf32>
    %select_n3A_16 = arith.select %eq3A_13, %broadcast_in_dim3A_15, %dot_general3A_6 : vector<2048x8xi1>, vector<2048x8xf32>
    %reduce_max3A_17 = arith.constant dense<0xFF800000> : vector<2048xf32>
    %reduce_max3A_18 = vector.multi_reduction <maximumf>, %select_n3A_16, %reduce_max3A_17 [1] : vector<2048x8xf32> to vector<2048xf32>
    %broadcast_in_dim3A_19 = vector.shape_cast %reduce_max3A_18 : vector<2048xf32> to vector<2048x1xf32>
    %eq3A_20 = vector.broadcast %broadcast_in_dim3A_19 : vector<2048x1xf32> to vector<2048x8xf32>
    %eq3A_21 = arith.cmpf oeq, %select_n3A_16, %eq3A_20 : vector<2048x8xf32>
    %jit3A_22 = arith.constant 8 : i32
    %broadcast_in_dim3A_23 = vector.broadcast %jit3A_22 : i32 to vector<2048x8xi32>
    %select_n3A_24 = arith.select %eq3A_21, %iota3A, %broadcast_in_dim3A_23 : vector<2048x8xi1>, vector<2048x8xi32>
    %reduce_min3A_25 = arith.constant dense<2147483647> : vector<2048xi32>
    %reduce_min3A_26 = vector.multi_reduction <minsi>, %select_n3A_24, %reduce_min3A_25 [1] : vector<2048x8xi32> to vector<2048xi32>
    %broadcast_in_dim3A_27 = vector.shape_cast %reduce_min3A_26 : vector<2048xi32> to vector<2048x1xi32>
    %eq3A_28 = vector.broadcast %broadcast_in_dim3A_27 : vector<2048x1xi32> to vector<2048x8xi32>
    %eq3A_29 = arith.cmpi eq, %iota3A, %eq3A_28 : vector<2048x8xi32>
    %sub3A = arith.subf %broadcast_in_dim3A_19, %broadcast_in_dim3A : vector<2048x1xf32>
    %exp3A = math.exp %sub3A : vector<2048x1xf32>
    %add3A = arith.constant 1.000000e+00 : f32
    %add3A_30 = vector.broadcast %add3A : f32 to vector<2048x1xf32>
    %add3A_31 = arith.addf %add3A_30, %exp3A : vector<2048x1xf32>
    %div3A = arith.constant 1.000000e+00 : f32
    %div3A_32 = vector.broadcast %div3A : f32 to vector<2048x1xf32>
    %div3A_33 = arith.divf %div3A_32, %add3A_31 : vector<2048x1xf32>
    %or3A = arith.ori %eq3A_13, %eq3A_29 : vector<2048x8xi1>
    %convert_element_type3A_34 = arith.extui %or3A : vector<2048x8xi1> to vector<2048x8xi32>
    %convert_element_type3A_35 = arith.sitofp %convert_element_type3A_34 : vector<2048x8xi32> to vector<2048x8xf32>
    %broadcast_in_dim3A_36 = arith.constant 0.000000e+00 : f32
    %broadcast_in_dim3A_37 = vector.broadcast %broadcast_in_dim3A_36 : f32 to vector<1x8xf32>
    %slice3A = vector.extract_strided_slice %convert_element_type3A_35 {offsets = [0, 0], sizes = [2047, 8], strides = [1, 1]} : vector<2048x8xf32> to vector<2047x8xf32>
    %concatenate3A = tpu.concatenate %broadcast_in_dim3A_37, %slice3A in 0 : vector<1x8xf32>, vector<2047x8xf32> -> vector<2048x8xf32>
    %add3A_38 = arith.addf %convert_element_type3A_35, %concatenate3A : vector<2048x8xf32>
    %broadcast_in_dim3A_39 = arith.constant 0.000000e+00 : f32
    %broadcast_in_dim3A_40 = vector.broadcast %broadcast_in_dim3A_39 : f32 to vector<2x8xf32>
    %slice3A_41 = vector.extract_strided_slice %add3A_38 {offsets = [0, 0], sizes = [2046, 8], strides = [1, 1]} : vector<2048x8xf32> to vector<2046x8xf32>
    %concatenate3A_42 = tpu.concatenate %broadcast_in_dim3A_40, %slice3A_41 in 0 : vector<2x8xf32>, vector<2046x8xf32> -> vector<2048x8xf32>
    %add3A_43 = arith.addf %add3A_38, %concatenate3A_42 : vector<2048x8xf32>
    %broadcast_in_dim3A_44 = arith.constant 0.000000e+00 : f32
    %broadcast_in_dim3A_45 = vector.broadcast %broadcast_in_dim3A_44 : f32 to vector<4x8xf32>
    %slice3A_46 = vector.extract_strided_slice %add3A_43 {offsets = [0, 0], sizes = [2044, 8], strides = [1, 1]} : vector<2048x8xf32> to vector<2044x8xf32>
    %concatenate3A_47 = tpu.concatenate %broadcast_in_dim3A_45, %slice3A_46 in 0 : vector<4x8xf32>, vector<2044x8xf32> -> vector<2048x8xf32>
    %add3A_48 = arith.addf %add3A_43, %concatenate3A_47 : vector<2048x8xf32>
    %broadcast_in_dim3A_49 = arith.constant 0.000000e+00 : f32
    %broadcast_in_dim3A_50 = vector.broadcast %broadcast_in_dim3A_49 : f32 to vector<8x8xf32>
    %slice3A_51 = vector.extract_strided_slice %add3A_48 {offsets = [0, 0], sizes = [2040, 8], strides = [1, 1]} : vector<2048x8xf32> to vector<2040x8xf32>
    %concatenate3A_52 = tpu.concatenate %broadcast_in_dim3A_50, %slice3A_51 in 0 : vector<8x8xf32>, vector<2040x8xf32> -> vector<2048x8xf32>
    %add3A_53 = arith.addf %add3A_48, %concatenate3A_52 : vector<2048x8xf32>
    %broadcast_in_dim3A_54 = arith.constant 0.000000e+00 : f32
    %broadcast_in_dim3A_55 = vector.broadcast %broadcast_in_dim3A_54 : f32 to vector<16x8xf32>
    %slice3A_56 = vector.extract_strided_slice %add3A_53 {offsets = [0, 0], sizes = [2032, 8], strides = [1, 1]} : vector<2048x8xf32> to vector<2032x8xf32>
    %concatenate3A_57 = tpu.concatenate %broadcast_in_dim3A_55, %slice3A_56 in 0 : vector<16x8xf32>, vector<2032x8xf32> -> vector<2048x8xf32>
    %add3A_58 = arith.addf %add3A_53, %concatenate3A_57 : vector<2048x8xf32>
    %broadcast_in_dim3A_59 = arith.constant 0.000000e+00 : f32
    %broadcast_in_dim3A_60 = vector.broadcast %broadcast_in_dim3A_59 : f32 to vector<32x8xf32>
    %slice3A_61 = vector.extract_strided_slice %add3A_58 {offsets = [0, 0], sizes = [2016, 8], strides = [1, 1]} : vector<2048x8xf32> to vector<2016x8xf32>
    %concatenate3A_62 = tpu.concatenate %broadcast_in_dim3A_60, %slice3A_61 in 0 : vector<32x8xf32>, vector<2016x8xf32> -> vector<2048x8xf32>
    %add3A_63 = arith.addf %add3A_58, %concatenate3A_62 : vector<2048x8xf32>
    %broadcast_in_dim3A_64 = arith.constant 0.000000e+00 : f32
    %broadcast_in_dim3A_65 = vector.broadcast %broadcast_in_dim3A_64 : f32 to vector<64x8xf32>
    %slice3A_66 = vector.extract_strided_slice %add3A_63 {offsets = [0, 0], sizes = [1984, 8], strides = [1, 1]} : vector<2048x8xf32> to vector<1984x8xf32>
    %concatenate3A_67 = tpu.concatenate %broadcast_in_dim3A_65, %slice3A_66 in 0 : vector<64x8xf32>, vector<1984x8xf32> -> vector<2048x8xf32>
    %add3A_68 = arith.addf %add3A_63, %concatenate3A_67 : vector<2048x8xf32>
    %broadcast_in_dim3A_69 = arith.constant 0.000000e+00 : f32
    %broadcast_in_dim3A_70 = vector.broadcast %broadcast_in_dim3A_69 : f32 to vector<128x8xf32>
    %slice3A_71 = vector.extract_strided_slice %add3A_68 {offsets = [0, 0], sizes = [1920, 8], strides = [1, 1]} : vector<2048x8xf32> to vector<1920x8xf32>
    %concatenate3A_72 = tpu.concatenate %broadcast_in_dim3A_70, %slice3A_71 in 0 : vector<128x8xf32>, vector<1920x8xf32> -> vector<2048x8xf32>
    %add3A_73 = arith.addf %add3A_68, %concatenate3A_72 : vector<2048x8xf32>
    %broadcast_in_dim3A_74 = arith.constant 0.000000e+00 : f32
    %broadcast_in_dim3A_75 = vector.broadcast %broadcast_in_dim3A_74 : f32 to vector<256x8xf32>
    %slice3A_76 = vector.extract_strided_slice %add3A_73 {offsets = [0, 0], sizes = [1792, 8], strides = [1, 1]} : vector<2048x8xf32> to vector<1792x8xf32>
    %concatenate3A_77 = tpu.concatenate %broadcast_in_dim3A_75, %slice3A_76 in 0 : vector<256x8xf32>, vector<1792x8xf32> -> vector<2048x8xf32>
    %add3A_78 = arith.addf %add3A_73, %concatenate3A_77 : vector<2048x8xf32>
    %broadcast_in_dim3A_79 = arith.constant 0.000000e+00 : f32
    %broadcast_in_dim3A_80 = vector.broadcast %broadcast_in_dim3A_79 : f32 to vector<512x8xf32>
    %slice3A_81 = vector.extract_strided_slice %add3A_78 {offsets = [0, 0], sizes = [1536, 8], strides = [1, 1]} : vector<2048x8xf32> to vector<1536x8xf32>
    %concatenate3A_82 = tpu.concatenate %broadcast_in_dim3A_80, %slice3A_81 in 0 : vector<512x8xf32>, vector<1536x8xf32> -> vector<2048x8xf32>
    %add3A_83 = arith.addf %add3A_78, %concatenate3A_82 : vector<2048x8xf32>
    %broadcast_in_dim3A_84 = arith.constant 0.000000e+00 : f32
    %broadcast_in_dim3A_85 = vector.broadcast %broadcast_in_dim3A_84 : f32 to vector<1024x8xf32>
    %slice3A_86 = vector.extract_strided_slice %add3A_83 {offsets = [0, 0], sizes = [1024, 8], strides = [1, 1]} : vector<2048x8xf32> to vector<1024x8xf32>
    %concatenate3A_87 = tpu.concatenate %broadcast_in_dim3A_85, %slice3A_86 in 0 : vector<1024x8xf32>, vector<1024x8xf32> -> vector<2048x8xf32>
    %add3A_88 = arith.addf %add3A_83, %concatenate3A_87 : vector<2048x8xf32>
    %sub3A_89 = arith.subf %add3A_88, %convert_element_type3A_35 : vector<2048x8xf32>
    %slice3A_90 = vector.extract_strided_slice %add3A_88 {offsets = [2047, 0], sizes = [1, 8], strides = [1, 1]} : vector<2048x8xf32> to vector<1x8xf32>
    %div3A_91 = arith.constant 2.560000e+02 : f32
    %div3A_92 = vector.broadcast %div3A_91 : f32 to vector<1x8xf32>
    %div3A_93 = arith.divf %slice3A_90, %div3A_92 : vector<1x8xf32>
    %ceil3A = math.ceil %div3A_93 : vector<1x8xf32>
    %broadcast_in_dim3A_94 = arith.constant 0.000000e+00 : f32
    %broadcast_in_dim3A_95 = vector.broadcast %broadcast_in_dim3A_94 : f32 to vector<1x1xf32>
    %slice3A_96 = vector.extract_strided_slice %ceil3A {offsets = [0, 0], sizes = [1, 7], strides = [1, 1]} : vector<1x8xf32> to vector<1x7xf32>
    %concatenate3A_97 = tpu.concatenate %broadcast_in_dim3A_95, %slice3A_96 in 1 : vector<1x1xf32>, vector<1x7xf32> -> vector<1x8xf32>
    %add3A_98 = arith.addf %ceil3A, %concatenate3A_97 : vector<1x8xf32>
    %broadcast_in_dim3A_99 = arith.constant 0.000000e+00 : f32
    %broadcast_in_dim3A_100 = vector.broadcast %broadcast_in_dim3A_99 : f32 to vector<1x2xf32>
    %slice3A_101 = vector.extract_strided_slice %add3A_98 {offsets = [0, 0], sizes = [1, 6], strides = [1, 1]} : vector<1x8xf32> to vector<1x6xf32>
    %concatenate3A_102 = tpu.concatenate %broadcast_in_dim3A_100, %slice3A_101 in 1 : vector<1x2xf32>, vector<1x6xf32> -> vector<1x8xf32>
    %add3A_103 = arith.addf %add3A_98, %concatenate3A_102 : vector<1x8xf32>
    %broadcast_in_dim3A_104 = arith.constant 0.000000e+00 : f32
    %broadcast_in_dim3A_105 = vector.broadcast %broadcast_in_dim3A_104 : f32 to vector<1x4xf32>
    %slice3A_106 = vector.extract_strided_slice %add3A_103 {offsets = [0, 0], sizes = [1, 4], strides = [1, 1]} : vector<1x8xf32> to vector<1x4xf32>
    %concatenate3A_107 = tpu.concatenate %broadcast_in_dim3A_105, %slice3A_106 in 1 : vector<1x4xf32>, vector<1x4xf32> -> vector<1x8xf32>
    %add3A_108 = arith.addf %add3A_103, %concatenate3A_107 : vector<1x8xf32>
    %sub3A_109 = arith.subf %add3A_108, %ceil3A : vector<1x8xf32>
    %mul3A = arith.constant 2.560000e+02 : f32
    %mul3A_110 = vector.broadcast %mul3A : f32 to vector<1x8xf32>
    %mul3A_111 = arith.mulf %sub3A_109, %mul3A_110 : vector<1x8xf32>
    %add3A_112 = vector.broadcast %mul3A_111 : vector<1x8xf32> to vector<2048x8xf32>
    %add3A_113 = arith.addf %add3A_112, %sub3A_89 : vector<2048x8xf32>
    %jit3A_114 = arith.constant 0.000000e+00 : f32
    %broadcast_in_dim3A_115 = vector.broadcast %jit3A_114 : f32 to vector<2048x8xf32>
    %select_n3A_116 = arith.select %eq3A_13, %add3A_113, %broadcast_in_dim3A_115 : vector<2048x8xi1>, vector<2048x8xf32>
    %reduce_sum3A = arith.constant dense<0.000000e+00> : vector<2048xf32>
    %reduce_sum3A_117 = vector.multi_reduction <add>, %select_n3A_116, %reduce_sum3A [1] : vector<2048x8xf32> to vector<2048xf32>
    %broadcast_in_dim3A_118 = vector.shape_cast %reduce_sum3A_117 : vector<2048xf32> to vector<2048x1xf32>
    %jit3A_119 = arith.constant 0.000000e+00 : f32
    %broadcast_in_dim3A_120 = vector.broadcast %jit3A_119 : f32 to vector<2048x8xf32>
    %select_n3A_121 = arith.select %eq3A_29, %add3A_113, %broadcast_in_dim3A_120 : vector<2048x8xi1>, vector<2048x8xf32>
    %reduce_sum3A_122 = arith.constant dense<0.000000e+00> : vector<2048xf32>
    %reduce_sum3A_123 = vector.multi_reduction <add>, %select_n3A_121, %reduce_sum3A_122 [1] : vector<2048x8xf32> to vector<2048xf32>
    %broadcast_in_dim3A_124 = vector.shape_cast %reduce_sum3A_123 : vector<2048xf32> to vector<2048x1xf32>
    %convert_element_type3A_125 = arith.fptosi %broadcast_in_dim3A_118 : vector<2048x1xf32> to vector<2048x1xi32>
    %swap3A = arith.constant 0 : index
    %swap3A_126 = arith.constant 0 : index
    %swap3A_127 = vector.load %arg2[%swap3A, %swap3A_126] : memref<2048x1xi32, #tpu.memory_space<vmem>>, vector<2048x1xi32>
    tpu.vector_store %arg2[%swap3A, %swap3A_126], %convert_element_type3A_125 {strides = array<i32>} : memref<2048x1xi32, #tpu.memory_space<vmem>>, vector<2048x1xi32>,
    %convert_element_type3A_128 = arith.fptosi %broadcast_in_dim3A_124 : vector<2048x1xf32> to vector<2048x1xi32>
    %swap3A_129 = arith.constant 0 : index
    %swap3A_130 = arith.constant 0 : index
    %swap3A_131 = vector.load %arg3[%swap3A_129, %swap3A_130] : memref<2048x1xi32, #tpu.memory_space<vmem>>, vector<2048x1xi32>
    tpu.vector_store %arg3[%swap3A_129, %swap3A_130], %convert_element_type3A_128 {strides = array<i32>} : memref<2048x1xi32, #tpu.memory_space<vmem>>, vector<2048x1xi32>,
    %broadcast_in_dim3A_132 = vector.shape_cast %div3A_33 : vector<2048x1xf32> to vector<2048x1xf32>
    %broadcast_in_dim3A_133 = vector.broadcast %broadcast_in_dim3A_132 : vector<2048x1xf32> to vector<2048x128xf32>
    %swap3A_134 = arith.constant 0 : index
    %swap3A_135 = arith.constant 0 : index
    %swap3A_136 = vector.load %arg4[%swap3A_134, %swap3A_135] : memref<2048x128xf32, #tpu.memory_space<vmem>>, vector<2048x128xf32>
    tpu.vector_store %arg4[%swap3A_134, %swap3A_135], %broadcast_in_dim3A_133 {strides = array<i32>} : memref<2048x128xf32, #tpu.memory_space<vmem>>, vector<2048x128xf32>,
    %sub3A_137 = arith.constant 1.000000e+00 : f32
    %sub3A_138 = vector.broadcast %sub3A_137 : f32 to vector<2048x1xf32>
    %sub3A_139 = arith.subf %sub3A_138, %div3A_33 : vector<2048x1xf32>
    %broadcast_in_dim3A_140 = vector.shape_cast %sub3A_139 : vector<2048x1xf32> to vector<2048x1xf32>
    %broadcast_in_dim3A_141 = vector.broadcast %broadcast_in_dim3A_140 : vector<2048x1xf32> to vector<2048x128xf32>
    %swap3A_142 = arith.constant 0 : index
    %swap3A_143 = arith.constant 0 : index
    %swap3A_144 = vector.load %arg5[%swap3A_142, %swap3A_143] : memref<2048x128xf32, #tpu.memory_space<vmem>>, vector<2048x128xf32>
    tpu.vector_store %arg5[%swap3A_142, %swap3A_143], %broadcast_in_dim3A_141 {strides = array<i32>} : memref<2048x128xf32, #tpu.memory_space<vmem>>, vector<2048x128xf32>,
    %add3A_145 = arith.addf %sub3A_109, %ceil3A : vector<1x8xf32>
    %convert_element_type3A_146 = arith.fptosi %add3A_145 : vector<1x8xf32> to vector<1x8xi32>
    %iota3A_147 = tpu.iota {dimensions = array<i32: 0>} : vector<24x8xi32>
    %ge3A = vector.broadcast %convert_element_type3A_146 : vector<1x8xi32> to vector<24x8xi32>
    %ge3A_148 = arith.cmpi sge, %iota3A_147, %ge3A : vector<24x8xi32>
    %convert_element_type3A_149 = arith.extui %ge3A_148 : vector<24x8xi1> to vector<24x8xi32>
    %reduce_sum3A_150 = arith.constant dense<0> : vector<24xi32>
    %reduce_sum3A_151 = vector.multi_reduction <add>, %convert_element_type3A_149, %reduce_sum3A_150 [1] : vector<24x8xi32> to vector<24xi32>
    %broadcast_in_dim3A_152 = vector.shape_cast %reduce_sum3A_151 : vector<24xi32> to vector<24x1xi32>
    %min3A = arith.constant 7 : i32
    %min3A_153 = vector.broadcast %min3A : i32 to vector<24x1xi32>
    %min3A_154 = arith.minsi %broadcast_in_dim3A_152, %min3A_153 : vector<24x1xi32>
    %swap3A_155 = arith.constant 0 : index
    %swap3A_156 = arith.constant 0 : index
    %swap3A_157 = vector.load %arg6[%swap3A_155, %swap3A_156] : memref<24x1xi32, #tpu.memory_space<vmem>>, vector<24x1xi32>
    tpu.vector_store %arg6[%swap3A_155, %swap3A_156], %min3A_154 {strides = array<i32>} : memref<24x1xi32, #tpu.memory_space<vmem>>, vector<24x1xi32>,
    return
  }
}

module attributes {stable_mosaic.version = 14 : i64} {
  func.func @_shared_kernel(%arg0: i32, %arg1: memref<1024x1024xbf16, #tpu.memory_space<vmem>>, %arg2: memref<1024x1024xbf16, #tpu.memory_space<vmem>>, %arg3: memref<1024x1024xbf16, #tpu.memory_space<vmem>>, %arg4: memref<1024x1024xbf16, #tpu.memory_space<vmem>>, %arg5: memref<1024x1024xf32, #tpu.memory_space<vmem>>) attributes {dimension_semantics = [#tpu.dimension_semantics<arbitrary>], iteration_bounds = array<i64: 2>, scalar_prefetch = 0 : i64, scratch_operands = 0 : i64, tpu.core_type = #tpu.core_type<tc>, window_params = [{transform_indices = @transform_0, window_bounds = array<i64: 1024, 1024>}, {pipeline_mode = #tpu.pipeline_mode<synchronous>, transform_indices = @transform_1, window_bounds = array<i64: 1024, 1024>}, {pipeline_mode = #tpu.pipeline_mode<synchronous>, transform_indices = @transform_2, window_bounds = array<i64: 1024, 1024>}, {pipeline_mode = #tpu.pipeline_mode<synchronous>, transform_indices = @transform_3, window_bounds = array<i64: 1024, 1024>}, {transform_indices = @transform_4, window_bounds = array<i64: 1024, 1024>}]} {
    %get3A = arith.constant 0 : index
    %get3A_0 = arith.constant 0 : index
    %get3A_1 = vector.load %arg1[%get3A, %get3A_0] : memref<1024x1024xbf16, #tpu.memory_space<vmem>>, vector<1024x1024xbf16>
    %get3A_2 = arith.constant 0 : index
    %get3A_3 = arith.constant 0 : index
    %get3A_4 = vector.load %arg2[%get3A_2, %get3A_3] : memref<1024x1024xbf16, #tpu.memory_space<vmem>>, vector<1024x1024xbf16>
    %dot_general3A = arith.constant dense<0.000000e+00> : vector<1024x1024xf32>
    %dot_general3A_5 = tpu.matmul %get3A_1, %get3A_4, %dot_general3A {dimension_numbers = #tpu.dot_dimension_numbers<[1], [1], [0], [0], [0, 0, 1, 0], [], []>, transpose_lhs_hint = false} : vector<1024x1024xbf16>, vector<1024x1024xbf16>, vector<1024x1024xf32> -> vector<1024x1024xf32>
    %get3A_6 = arith.constant 0 : index
    %get3A_7 = arith.constant 0 : index
    %get3A_8 = vector.load %arg3[%get3A_6, %get3A_7] : memref<1024x1024xbf16, #tpu.memory_space<vmem>>, vector<1024x1024xbf16>
    %dot_general3A_9 = arith.constant dense<0.000000e+00> : vector<1024x1024xf32>
    %dot_general3A_10 = tpu.matmul %get3A_1, %get3A_8, %dot_general3A_9 {dimension_numbers = #tpu.dot_dimension_numbers<[1], [1], [0], [0], [0, 0, 1, 0], [], []>, transpose_lhs_hint = false} : vector<1024x1024xbf16>, vector<1024x1024xbf16>, vector<1024x1024xf32> -> vector<1024x1024xf32>
    %logistic3A = arith.negf %dot_general3A_5 : vector<1024x1024xf32>
    %logistic3A_11 = math.exp %logistic3A : vector<1024x1024xf32>
    %logistic3A_12 = arith.constant 1.000000e+00 : f32
    %logistic3A_13 = vector.broadcast %logistic3A_12 : f32 to vector<1024x1024xf32>
    %logistic3A_14 = arith.addf %logistic3A_13, %logistic3A_11 : vector<1024x1024xf32>
    %logistic3A_15 = arith.divf %logistic3A_13, %logistic3A_14 : vector<1024x1024xf32>
    %mul3A = arith.mulf %dot_general3A_5, %logistic3A_15 : vector<1024x1024xf32>
    %mul3A_16 = arith.mulf %mul3A, %dot_general3A_10 : vector<1024x1024xf32>
    %convert_element_type3A = arith.truncf %mul3A_16 : vector<1024x1024xf32> to vector<1024x1024xbf16>
    %get3A_17 = arith.constant 0 : index
    %get3A_18 = arith.constant 0 : index
    %get3A_19 = vector.load %arg4[%get3A_17, %get3A_18] : memref<1024x1024xbf16, #tpu.memory_space<vmem>>, vector<1024x1024xbf16>
    %dot_general3A_20 = arith.constant dense<0.000000e+00> : vector<1024x1024xf32>
    %dot_general3A_21 = tpu.matmul %convert_element_type3A, %get3A_19, %dot_general3A_20 {dimension_numbers = #tpu.dot_dimension_numbers<[1], [1], [0], [0], [0, 0, 1, 0], [], []>, transpose_lhs_hint = false} : vector<1024x1024xbf16>, vector<1024x1024xbf16>, vector<1024x1024xf32> -> vector<1024x1024xf32>
    %swap3A = arith.constant 0 : index
    %swap3A_22 = arith.constant 0 : index
    %swap3A_23 = vector.load %arg5[%swap3A, %swap3A_22] : memref<1024x1024xf32, #tpu.memory_space<vmem>>, vector<1024x1024xf32>
    tpu.vector_store %arg5[%swap3A, %swap3A_22], %dot_general3A_21 {strides = array<i32>} : memref<1024x1024xf32, #tpu.memory_space<vmem>>, vector<1024x1024xf32>,
    return
  }
  func.func @transform_0(%arg0: i32) -> (i32, i32) {
    %c0_i32 = arith.constant 0 : i32
    %c0_i32_0 = arith.constant 0 : i32
    return %arg0, %c0_i32 : i32, i32
  }
  func.func @transform_1(%arg0: i32) -> (i32, i32) {
    %c0_i32 = arith.constant 0 : i32
    %c0_i32_0 = arith.constant 0 : i32
    %c0_i32_1 = arith.constant 0 : i32
    return %c0_i32, %c0_i32_0 : i32, i32
  }
  func.func @transform_2(%arg0: i32) -> (i32, i32) {
    %c0_i32 = arith.constant 0 : i32
    %c0_i32_0 = arith.constant 0 : i32
    %c0_i32_1 = arith.constant 0 : i32
    return %c0_i32, %c0_i32_0 : i32, i32
  }
  func.func @transform_3(%arg0: i32) -> (i32, i32) {
    %c0_i32 = arith.constant 0 : i32
    %c0_i32_0 = arith.constant 0 : i32
    %c0_i32_1 = arith.constant 0 : i32
    return %c0_i32, %c0_i32_0 : i32, i32
  }
  func.func @transform_4(%arg0: i32) -> (i32, i32) {
    %c0_i32 = arith.constant 0 : i32
    %c0_i32_0 = arith.constant 0 : i32
    return %arg0, %c0_i32 : i32, i32
  }
}

module attributes {stable_mosaic.version = 14 : i64} {
  func.func @_group_kernel(%arg0: i32, %arg1: memref<24xi32, #tpu.memory_space<smem>>, %arg2: memref<256x1024xf32, #tpu.memory_space<vmem>>, %arg3: memref<256x128xf32, #tpu.memory_space<vmem>>, %arg4: memref<1x512x1024xbf16, #tpu.memory_space<vmem>>, %arg5: memref<1x512x1024xbf16, #tpu.memory_space<vmem>>, %arg6: memref<1x1024x512xbf16, #tpu.memory_space<vmem>>, %arg7: memref<256x1024xf32, #tpu.memory_space<vmem>>) attributes {dimension_semantics = [#tpu.dimension_semantics<arbitrary>], iteration_bounds = array<i64: 24>, scalar_prefetch = 1 : i64, scratch_operands = 0 : i64, tpu.core_type = #tpu.core_type<tc>, window_params = [{transform_indices = @transform_0, window_bounds = array<i64: 256, 1024>}, {transform_indices = @transform_1, window_bounds = array<i64: 256, 128>}, {transform_indices = @transform_2, window_bounds = array<i64: 1, 512, 1024>}, {transform_indices = @transform_3, window_bounds = array<i64: 1, 512, 1024>}, {transform_indices = @transform_4, window_bounds = array<i64: 1, 1024, 512>}, {transform_indices = @transform_5, window_bounds = array<i64: 256, 1024>}]} {
    %get3A = arith.constant 0 : index
    %get3A_0 = arith.constant 0 : index
    %get3A_1 = vector.load %arg2[%get3A, %get3A_0] : memref<256x1024xf32, #tpu.memory_space<vmem>>, vector<256x1024xf32>
    %convert_element_type3A = arith.truncf %get3A_1 : vector<256x1024xf32> to vector<256x1024xbf16>
    %get3A_2 = arith.constant 0 : index
    %get3A_3 = arith.constant 0 : index
    %get3A_4 = arith.constant 0 : index
    %get3A_5 = vector.load %arg4[%get3A_2, %get3A_3, %get3A_4] : memref<1x512x1024xbf16, #tpu.memory_space<vmem>>, vector<1x512x1024xbf16>
    %get3A_6 = vector.shape_cast %get3A_5 : vector<1x512x1024xbf16> to vector<512x1024xbf16>
    %dot_general3A = arith.constant dense<0.000000e+00> : vector<256x512xf32>
    %dot_general3A_7 = tpu.matmul %convert_element_type3A, %get3A_6, %dot_general3A {dimension_numbers = #tpu.dot_dimension_numbers<[1], [1], [0], [0], [0, 0, 1, 0], [], []>, transpose_lhs_hint = false} : vector<256x1024xbf16>, vector<512x1024xbf16>, vector<256x512xf32> -> vector<256x512xf32>
    %get3A_8 = arith.constant 0 : index
    %get3A_9 = arith.constant 0 : index
    %get3A_10 = arith.constant 0 : index
    %get3A_11 = vector.load %arg5[%get3A_8, %get3A_9, %get3A_10] : memref<1x512x1024xbf16, #tpu.memory_space<vmem>>, vector<1x512x1024xbf16>
    %get3A_12 = vector.shape_cast %get3A_11 : vector<1x512x1024xbf16> to vector<512x1024xbf16>
    %dot_general3A_13 = arith.constant dense<0.000000e+00> : vector<256x512xf32>
    %dot_general3A_14 = tpu.matmul %convert_element_type3A, %get3A_12, %dot_general3A_13 {dimension_numbers = #tpu.dot_dimension_numbers<[1], [1], [0], [0], [0, 0, 1, 0], [], []>, transpose_lhs_hint = false} : vector<256x1024xbf16>, vector<512x1024xbf16>, vector<256x512xf32> -> vector<256x512xf32>
    %logistic3A = arith.negf %dot_general3A_7 : vector<256x512xf32>
    %logistic3A_15 = math.exp %logistic3A : vector<256x512xf32>
    %logistic3A_16 = arith.constant 1.000000e+00 : f32
    %logistic3A_17 = vector.broadcast %logistic3A_16 : f32 to vector<256x512xf32>
    %logistic3A_18 = arith.addf %logistic3A_17, %logistic3A_15 : vector<256x512xf32>
    %logistic3A_19 = arith.divf %logistic3A_17, %logistic3A_18 : vector<256x512xf32>
    %mul3A = arith.mulf %dot_general3A_7, %logistic3A_19 : vector<256x512xf32>
    %mul3A_20 = arith.mulf %mul3A, %dot_general3A_14 : vector<256x512xf32>
    %convert_element_type3A_21 = arith.truncf %mul3A_20 : vector<256x512xf32> to vector<256x512xbf16>
    %get3A_22 = arith.constant 0 : index
    %get3A_23 = arith.constant 0 : index
    %get3A_24 = arith.constant 0 : index
    %get3A_25 = vector.load %arg6[%get3A_22, %get3A_23, %get3A_24] : memref<1x1024x512xbf16, #tpu.memory_space<vmem>>, vector<1x1024x512xbf16>
    %get3A_26 = vector.shape_cast %get3A_25 : vector<1x1024x512xbf16> to vector<1024x512xbf16>
    %dot_general3A_27 = arith.constant dense<0.000000e+00> : vector<256x1024xf32>
    %dot_general3A_28 = tpu.matmul %convert_element_type3A_21, %get3A_26, %dot_general3A_27 {dimension_numbers = #tpu.dot_dimension_numbers<[1], [1], [0], [0], [0, 0, 1, 0], [], []>, transpose_lhs_hint = false} : vector<256x512xbf16>, vector<1024x512xbf16>, vector<256x1024xf32> -> vector<256x1024xf32>
    %get3A_29 = arith.constant 0 : index
    %get3A_30 = arith.constant 0 : index
    %get3A_31 = vector.load %arg3[%get3A_29, %get3A_30] : memref<256x128xf32, #tpu.memory_space<vmem>>, vector<256x1xf32>
    %mul3A_32 = vector.broadcast %get3A_31 : vector<256x1xf32> to vector<256x1024xf32>
    %mul3A_33 = arith.mulf %dot_general3A_28, %mul3A_32 : vector<256x1024xf32>
    %swap3A = arith.constant 0 : index
    %swap3A_34 = arith.constant 0 : index
    %swap3A_35 = vector.load %arg7[%swap3A, %swap3A_34] : memref<256x1024xf32, #tpu.memory_space<vmem>>, vector<256x1024xf32>
    tpu.vector_store %arg7[%swap3A, %swap3A_34], %mul3A_33 {strides = array<i32>} : memref<256x1024xf32, #tpu.memory_space<vmem>>, vector<256x1024xf32>,
    return
  }
  func.func @transform_0(%arg0: i32, %arg1: memref<24xi32, #tpu.memory_space<smem>>) -> (i32, i32) {
    %c0_i32 = arith.constant 0 : i32
    %c0_i32_0 = arith.constant 0 : i32
    return %arg0, %c0_i32 : i32, i32
  }
  func.func @transform_1(%arg0: i32, %arg1: memref<24xi32, #tpu.memory_space<smem>>) -> (i32, i32) {
    %c0_i32 = arith.constant 0 : i32
    %c0_i32_0 = arith.constant 0 : i32
    return %arg0, %c0_i32 : i32, i32
  }
  func.func @transform_2(%arg0: i32, %arg1: memref<24xi32, #tpu.memory_space<smem>>) -> (i32, i32, i32) {
    %get3A = arith.index_cast %arg0 : i32 to index
    %get3A_0 = memref.load %arg1[%get3A] : memref<24xi32, #tpu.memory_space<smem>>
    %c0_i32 = arith.constant 0 : i32
    %c0_i32_1 = arith.constant 0 : i32
    %c0_i32_2 = arith.constant 0 : i32
    return %get3A_0, %c0_i32, %c0_i32_1 : i32, i32, i32
  }
  func.func @transform_3(%arg0: i32, %arg1: memref<24xi32, #tpu.memory_space<smem>>) -> (i32, i32, i32) {
    %get3A = arith.index_cast %arg0 : i32 to index
    %get3A_0 = memref.load %arg1[%get3A] : memref<24xi32, #tpu.memory_space<smem>>
    %c0_i32 = arith.constant 0 : i32
    %c0_i32_1 = arith.constant 0 : i32
    %c0_i32_2 = arith.constant 0 : i32
    return %get3A_0, %c0_i32, %c0_i32_1 : i32, i32, i32
  }
  func.func @transform_4(%arg0: i32, %arg1: memref<24xi32, #tpu.memory_space<smem>>) -> (i32, i32, i32) {
    %get3A = arith.index_cast %arg0 : i32 to index
    %get3A_0 = memref.load %arg1[%get3A] : memref<24xi32, #tpu.memory_space<smem>>
    %c0_i32 = arith.constant 0 : i32
    %c0_i32_1 = arith.constant 0 : i32
    %c0_i32_2 = arith.constant 0 : i32
    return %get3A_0, %c0_i32, %c0_i32_1 : i32, i32, i32
  }
  func.func @transform_5(%arg0: i32, %arg1: memref<24xi32, #tpu.memory_space<smem>>) -> (i32, i32) {
    %c0_i32 = arith.constant 0 : i32
    %c0_i32_0 = arith.constant 0 : i32
    return %arg0, %c0_i32 : i32, i32
  }
}

</mosaic_0001>

<sc_bundles>
// kernel: kernel.10.cloned.1.call-start
scs
__scs_entry_jumppad:
0x0: {  	(pc) =	sbr.rel $0x88, $3  }
0x1: {  	(tag) =	ssettag $0x0;
	lr =	simm.s32 $0x1  }
0x2: {  	[smem:$0x3F99] =	sst lr;
	_ =	strace $0xD0000000  }
0x3: {  	_ = 	snop  }
0x4: {  	_ = 	snop  }
0x5: {  	_ = 	snop  }
0x6: {  	_ = 	snop  }
0x7: {  	_ = 	snop  }
__scs_overlays_trampoline_lowered:
0x8: {  	[smem:$0x3FA8] =	sst s0  }
0x9: {  	[smem:$0x3FA9] =	sst s1  }
0xa: {  	[smem:$0x3FAA] =	sst s2  }
0xb: {  	[smem:$0x3FAB] =	sst s3  }
0xc: {  	[smem:$0x3FAC] =	sst s4  }
0xd: {  	[smem:$0x3FAD] =	sst s5  }
0xe: {  	[smem:$0x3FAE] =	sst s6  }
0xf: {  	[smem:$0x3FAF] =	sst s7  }
0x10: {  	[smem:$0x3FB0] =	sst s8  }
0x11: {  	[smem:$0x3FB1] =	sst s9;
	s0 =	simm.s32 @!p0 $0x0  }
0x12: {  	s1 =	sld [smem:$0x3F97];
	s0 =	simm.s32 @p0 $0x1  }
0x13: {  	[smem:$0x3FB2] =	sst s0;
	s0 =	simm.s32 @!p1 $0x0  }
0x14: {  	s2 =	sld [smem:$0x3F96];
	s0 =	simm.s32 @p1 $0x1  }
0x15: {  	[smem:$0x3FB3] =	sst s0;
	s0 =	simm.s32 @!p2 $0x0  }
0x16: {  	s3 =	sld [smem:$0x3FDB];
	s0 =	simm.s32 @p2 $0x1  }
0x17: {  	s4 =	simm.s32 $0x1BF5;
	[smem:$0x3FB5] =	sst s0  }
0x18: {  	s0 =	sld [smem:$0x3F98];
	_ =	swait.ge [sflag:s4], $0x0  }
0x19: {  	s7 =	sld [smem:$0x3F99]  }
0x1a: {  	s8 =	sadd.s32 $0xFFFFE003, lr  }
0x1b: {  	s9 =	sadd.s32 $0xFFFFFEF7, lr;
	s5 =	simm.s32 $0xFFFFFFFF;
	p2 =	slt.u32 s8, $0xFFFFF086  }
0x1c: {  	p1 =	slt.u32 s9, $0xF7A;
	s5 =	simm.s32 @!p2 $0x0  }
0x1d: {  	s5 =	simm.s32 @p1 $0x1;
	p0 =	seq.s32 s7, s2  }
0x1e: {  	s7 =	smul.u32 @!p0 $0xF7A, s2;
	p2 =	seq.s32 @!p0 s5, $0x0  }
0x1f: {  	s9 =	smul.u32 $0xF7A, s1;
	s8 =	simm.s32 @!p0 $0x1BF5;
	p2 =	por !p2, p0  }
0x20: {  	[sflag:s8] =	ssyncset.s32 @!p0 $0xFFFFF086;
	s6 =	sadd.s32 @!p0 s3, s7;
	s7 =	simm.s32 @!p0 $0x108  }
0x21: {  	s3 =	sadd.s32 s3, s9;
	s6 =	sadd.s32 @!p0 $0x88, s6;
	s7 =	simm.s32 @p2 $0x1082  }
0x22: {  	[simem:s7], [sflag:s8] =	dma.local @!p0 [hbm:s6], $0xF7A  }
0x23: {  	s9 =	sor.u32 $0xD0000000, s2;
	s6 =	simm.s32 $0x108;
	_ =	swait.ge @!p0 [sflag:s8], $0x0  }
0x24: {  	s3 =	sadd.s32 $0x88, s3;
	s6 =	simm.s32 @!p1 $0x1082;
	[sflag:s4] =	ssyncset.s32 $0xFFFFF086  }
0x25: {  	[simem:s6], [sflag:s4] =	dma.local [hbm:s3], $0xF7A  }
0x26: {  	[smem:$0x3F99] =	sst s1;
	(tag) =	ssettag s2;
	_ =	strace s9  }
0x27: {  	s1 =	sld [smem:$0x3FA9]  }
0x28: {  	s2 =	sld [smem:$0x3FAA]  }
0x29: {  	s4 =	sld [smem:$0x3FAC]  }
0x2a: {  	p0 =	seq.s32 s5, $0x0;
	s5 =	sld [smem:$0x3FAD]  }
0x2b: {  	s6 =	sld [smem:$0x3FAE]  }
0x2c: {  	s7 =	sld [smem:$0x3FAF]  }
0x2d: {  	s3 =	simm.s32 $0x108;
	s8 =	sld [smem:$0x3FB0]  }
0x2e: {  	s3 =	simm.s32 @!p0 $0x1082;
	s9 =	sld [smem:$0x3FB1]  }
0x2f: {  	lr =	sadd.s32 s0, s3;
	s0 =	sld [smem:$0x3FA8]  }
0x30: {  	s3 =	sld [smem:$0x3FAB]  }
0x31: {  	[smem:$0x3FB4] =	sst s10  }
0x32: {  	s10 =	sld [smem:$0x3FB2];
	_ =	sdelay $0x3  }
0x33: {  	p0 =	seq.s32 s10, $0x1;
	s10 =	sld [smem:$0x3FB4];
	_ =	sdelay $0x3  }
0x34: {  	[smem:$0x3FB4] =	sst s10  }
0x35: {  	s10 =	sld [smem:$0x3FB3];
	_ =	sdelay $0x3  }
0x36: {  	p1 =	seq.s32 s10, $0x1;
	s10 =	sld [smem:$0x3FB4];
	_ =	sdelay $0x3  }
0x37: {  	[smem:$0x3FB4] =	sst s10  }
0x38: {  	s10 =	sld [smem:$0x3FB5]  }
0x39: {  	_ = 	snop;
	(pc) =	sbr.ind lr, $3  }
0x3a: {  	_ = 	snop  }
0x3b: {  	_ = 	snop  }
0x3c: {  	p2 =	seq.s32 s10, $0x1;
	s10 =	sld [smem:$0x3FB4]  }
0x3d: {  	_ =	shalt  }
0x3e: {  	_ =	shalt  }
0x3f: {  	_ =	shalt  }
0x40: {  	_ =	shalt  }
0x41: {  	_ =	shalt  }
0x42: {  	_ =	shalt  }
0x43: {  	_ =	shalt  }
0x44: {  	_ =	shalt  }
0x45: {  	_ =	shalt  }
0x46: {  	_ =	shalt  }
0x47: {  	_ =	shalt  }
0x48: {  	_ =	shalt  }
0x49: {  	_ =	shalt  }
0x4a: {  	_ =	shalt  }
0x4b: {  	_ =	shalt  }
0x4c: {  	_ =	shalt  }
0x4d: {  	_ =	shalt  }
0x4e: {  	_ =	shalt  }
0x4f: {  	_ =	shalt  }
0x50: {  	_ =	shalt  }
0x51: {  	_ =	shalt  }
0x52: {  	_ =	shalt  }
0x53: {  	_ =	shalt  }
0x54: {  	_ =	shalt  }
0x55: {  	_ =	shalt  }
0x56: {  	_ =	shalt  }
0x57: {  	_ =	shalt  }
0x58: {  	_ =	shalt  }
0x59: {  	_ =	shalt  }
0x5a: {  	_ =	shalt  }
0x5b: {  	_ =	shalt  }
0x5c: {  	_ =	shalt  }
0x5d: {  	_ =	shalt  }
0x5e: {  	_ =	shalt  }
0x5f: {  	_ =	shalt  }
0x60: {  	_ =	shalt  }
0x61: {  	_ =	shalt  }
0x62: {  	_ =	shalt  }
0x63: {  	_ =	shalt  }
0x64: {  	_ =	shalt  }
0x65: {  	_ =	shalt  }
0x66: {  	_ =	shalt  }
0x67: {  	_ =	shalt  }
0x68: {  	_ =	shalt  }
0x69: {  	_ =	shalt  }
0x6a: {  	_ =	shalt  }
0x6b: {  	_ =	shalt  }
0x6c: {  	_ =	shalt  }
0x6d: {  	_ =	shalt  }
0x6e: {  	_ =	shalt  }
0x6f: {  	_ =	shalt  }
0x70: {  	_ =	shalt  }
0x71: {  	_ =	shalt  }
0x72: {  	_ =	shalt  }
0x73: {  	_ =	shalt  }
0x74: {  	_ =	shalt  }
0x75: {  	_ =	shalt  }
0x76: {  	_ =	shalt  }
0x77: {  	_ =	shalt  }
0x78: {  	_ =	shalt  }
0x79: {  	_ =	shalt  }
0x7a: {  	_ =	shalt  }
0x7b: {  	_ =	shalt  }
0x7c: {  	_ =	shalt  }
0x7d: {  	_ =	shalt  }
0x7e: {  	_ =	shalt  }
0x7f: {  	_ =	shalt  }
0x80: {  	_ =	shalt  }
0x81: {  	_ =	shalt  }
0x82: {  	_ =	shalt  }
0x83: {  	_ =	shalt  }
0x84: {  	_ =	shalt  }
0x85: {  	_ =	shalt  }
0x86: {  	_ =	shalt  }
0x87: {  	_ =	shalt  }
.Lfunc_end0:
.L_simem_size_0:
called_computation.1_lowered:
.L_overlay_start_0:
0x88: {  	s2 =	sld [smem:$0x3FD9]  }
0x89: {  	s3 =	sld [smem:$0x3FFE];
	_ =	sdelay $0x1  }
0x8a: {  	s1 =	srdreg.scid  }
0x8b: {  	s0 =	sand.u32 $0x1, s1  }
0x8c: {  	s17 =	sshll.u32 s0, $0xA;
	s2 =	sadd.s32 s3, s2  }
0x8d: {  	s2 =	sadd.s32 s2, s17  }
0x8e: {  	[smem:$0x3FC0] =	sst s2  }
0x8f: {  	_ = 	snop  }
0x90: {  	s2 =	sld [smem:$0x3FD0];
	(tm) =	ssettm $0x1  }
0x91: {  	s18 =	sld [smem:$0x3FFB];
	_ =	sdelay $0x3  }
0x92: {  	_ =	strace s18  }
0x93: {  	s3 =	sld [smem:$0x3FFC];
	_ =	sdelay $0x3  }
0x94: {  	_ =	strace s3  }
0x95: {  	s3 =	sld [smem:$0x3FFD];
	_ =	sdelay $0x3  }
0x96: {  	_ =	strace s3  }
0x97: {  	_ =	strace $0x8FFFFFFF  }
0x98: {  	s19 =	sld [smem:$0x3FDB];
	_ =	sdelay $0x1  }
0x99: {  	s4 =	simm.s32 $_scs_section_size  }
0x9a: {  	s5 =	simm.s32 $_size__tile_overlayer_lowered;
	s6 =	simm.s32 $_tile_overlayer_lowered  }
0x9b: {  	s22 =	simm.s32 $0x1BFF;
	s21 =	sshll.u32 s6, $0x1;
	s3 =	sadd.s32 s4, s19  }
0x9c: {  	s7 =	simm.s32 $0x0;
	s20 =	sshll.u32 s5, $0x1;
	s5 =	sadd.s32 s21, s3  }
0x9d: {  	[timem:s7], [sflag:s22] =	dma.local [hbm:s5], s20  }
0x9e: {  	_ =	swait.ge [sflag:s22], s20  }
0x9f: {  	s4 =	ssub.s32 $0x0, s20;
	[sflag:s22] =	ssyncset.done $0x0  }
0xa0: {  	[sflag:s22] =	ssyncadd.s32 s4;
	_ =	sdelay $0x1  }
0xa1: {  	s23 =	simm.s32 $0x1B8B  }
0xa2: {  	_ =	swait.ge [sflag:s23], $0x1  }
0xa3: {  	[sflag:s23] =	ssyncset.done $0x0  }
0xa4: {  	s25 =	simm.s32 $0x1B8E;
	s24 =	sld [smem:$0x3FFE];
	[sflag:s23] =	ssyncadd.s32 $0xFFFFFFFF  }
0xa5: {  	s26 =	simm.s32 $execute0_lowered;
	[smem:$0x3FD2] =	sst s25  }
0xa6: {  	s5 =	sshll.u32 s26, $0x1;
	_ =	strace $0x80000049;
	[dreg:$0x1] =	wrdreg $0xFFFFFFFF  }
0xa7: {  	s28 =	simm.s32 $_size_execute0_lowered;
	s3 =	sadd.s32 s3, s5;
	[dreg:$0x0] =	wrdreg $0x0  }
0xa8: {  	s5 =	sshll.u32 s28, $0x1;
	[dreg:$0x2] =	wrdreg s3  }
0xa9: {  	[dreg:$0x3] =	wrdreg s5  }
0xaa: {  	[dreg:$0x4] =	wrdreg $0xC0  }
0xab: {  	_ =	task [dreg:s7], $0x5FFFF  }
0xac: {  	[dreg:$0x1] =	wrdreg $0xFFFFFFFF  }
0xad: {  	[dreg:$0x0] =	wrdreg $0x60  }
0xae: {  	[dreg:$0x2] =	wrdreg s24  }
0xaf: {  	[dreg:$0x3] =	wrdreg s2  }
0xb0: {  	[dreg:$0x4] =	wrdreg $0x9  }
0xb1: {  	_ =	task.clear_ibuf [dreg:s7], $0x5FFFF;
	_ =	strace $0x90000049  }
0xb2: {  	s29 =	simm.s32 $0x9;
	_ =	strace $0x8000004B  }
0xb3: {  	_ =	swait.ge [sflag:s29], $0x1  }
0xb4: {  	[sflag:s29] =	ssyncadd.s32 $0xFFFFFFFF  }
0xb5: {  	_ =	strace $0x9000004B  }
0xb6: {  	_ =	sfence  }
0xb7: {  	s30 =	sld [smem:$0x0];
	_ =	sdelay $0x2  }
0xb8: {  	s31 =	sshll.u32 s1, $0xD;
	s1 =	sshrl.u32 s1, $0x2  }
0xb9: {  	s3 =	sand.u32 $0x4000, s31;
	s1 =	sadd.s32 s1, s30  }
0xba: {  	s0 =	sor.u32 s3, s0;
	s1 =	sshll.u32 s1, $0x11  }
0xbb: {  	s0 =	sor.u32 s1, s0  }
0xbc: {  	s0 =	sadd.s32 $0x8F2B, s0  }
0xbd: {  	[sflag:s0] =	ssyncadd.remote.s32 $0x1  }
0xbe: {  	_ =	sfence.sel $0xFFFF  }
0xbf: {  	[dreg:$0x0] =	wrdreg $0xFFFFFFFF;
	(pc) =	sbr.abs _section_cstart, $3  }
0xc0: {  	[dreg:$0x1] =	wrdreg $0xFFFFFFFF  }
0xc1: {  	_ =	task.clear_ibuf [dreg:s7], $0x2FFFF;
	_ =	strace $0x9FFFFFFF  }
0xc2: {  	(tm) =	ssettm $0x7FFFFFFF  }
0xc3: {  	_ =	shalt  }
tec
execute0_lowered:
.L_overlay_start_1:
0x0: {  	(tag) =	ssettag $0x1  }
0x1: {  	s0 =	rddreg [dreg:$0x0]  }
0x2: {  	s2 =	rddreg [dreg:$0x1];
	s1 =	simm.s32 $0x0;
	s4 =	srdreg.scid  }
0x3: {  	s6 =	stileid.u32;
	s16 =	simm.s32 $0x2;
	s17 =	simm.s32 $0x9900  }
0x4: {  	s18 =	simm.s32 $0xA100;
	s19 =	simm.s32 $0xA900;
	s20 =	simm.s32 $0xB900  }
0x5: {  	s13 =	simm.s32 $0xD100;
	s14 =	simm.s32 $0xE100;
	s15 =	simm.s32 $0xF100  }
0x6: {  	s28 =	simm.s32 $0x0;
	[smem:$0x7FF] =	sst s1;
	s3 =	sadd.s32 $0x16AE00, s0  }
0x7: {  	s4 =	sand.u32 $0x1, s4;
	s5 =	sadd.s32 $0x12AE00, s0;
	s6 =	sshll.u32 s6, $0x7  }
0x8: {  	s9 =	sadd.s32 $0x12A00, s0;
	s11 =	sadd.s32 $0x12C00, s0;
	s8 =	sadd.s32 $0x16B100, s0  }
0x9: {  	_ =	strace $0x8000004A;
	s7 =	sshll.u32 s4, $0x6;
	s4 =	ssub.s32 $0x2, s4  }
0xa: {  	s10 =	sor.u32 s7, s6;
	s21 =	sshrl.u32 s4, $0x1;
	s6 =	sadd.s32 $0x16AF00, s0  }
0xb: {  	s7 =	sshrl.u32 s10, $0x3;
	s4 =	ssub.s32 s4, s21;
	s12 =	sshll.u32 s10, $0x7  }
0xc: {  	s25 =	sor.u32 $0x20, s10;
	s10 =	simm.s32 $0x9100;
	s21 =	simm.s32 $0xC900  }
0xd: {  	s22 =	sadd.s32 s9, s7;
	s23 =	sadd.s32 s11, s7;
	s7 =	sadd.s32 $0x16B000, s0  }
0xe: {  	s24 =	sadd.s32 s5, s12;
	s26 =	sadd.s32 s2, s12;
	[dreg:$0x3] =	wrdreg s22  }
0xf: {  	s29 =	sshrl.u32 s25, $0x3;
	s0 =	sshll.u32 s25, $0x7;
	[dreg:$0x4] =	wrdreg s23  }
0x10: {  	s31 =	smax.u32 s4, $0x1;
	s12 =	simm.s32 $0xC100;
	[dreg:$0x5] =	wrdreg s24  }
0x11: {  	s25 =	simm.s32 $0x10100;
	[dreg:$0x6] =	wrdreg s26;
	s9 =	sadd.s32 s9, s29  }
0x12: {  	s30 =	sadd.s32 s11, s29;
	s5 =	sadd.s32 s5, s0;
	[dreg:$0xb] =	wrdreg s31  }
0x13: {  	s0 =	sadd.s32 s2, s0;
	s11 =	simm.s32 $0xB100;
	[dreg:$0x7] =	wrdreg s9  }
0x14: {  	v2 =	vlaneseq.u32;
	s22 =	simm.s32 $0xD900;
	s23 =	simm.s32 $0xE900;
	[dreg:$0x8] =	wrdreg s30  }
0x15: {  	vm0 =	vmmov $0xffff;
	v1 =	vshrl.u32 v2, $0x3;
	s24 =	simm.s32 $0xF900;
	s26 =	simm.s32 $0x1;
	[dreg:$0x9] =	wrdreg s5  }
0x16: {  	v0 =	vand.u32 $0x7, v2;
	v2 =	vor.u32 $0x8, v2;
	v1 =	vmul.u32 $0x8, v1;
	[dreg:$0xa] =	wrdreg s0;
	s5 =	simm.s32 $0x8100;
	s9 =	simm.s32 $0x8900  }
.LBB2_1:
0x17: {  	s0 =	rddreg [dreg:$0x3]  }
0x18: {  	[tilespmem:s1], [sflag:$0x2] =	stream.linear.gather [hbm4b:s0+s1], $0x20, $0x38;
	[tilespmem:$0x18100] =	vst v63  }
0x19: {  	_ =	swait.ge [sflag:s16], $0x20  }
0x1a: {  	[sflag:s16] =	ssyncset.done $0x0  }
0x1b: {  	s2 =	simm.s32 $0x80;
	s4 =	rddreg [dreg:$0x4];
	[sflag:s16] =	ssyncadd.s32 $0xFFFFFFE0  }
0x1c: {  	[tilespmem:s2], [sflag:$0x2] =	stream.linear.gather [hbm4b:s4+s1], $0x20, $0x38;
	[tilespmem:$0x18100] =	vst v63  }
0x1d: {  	_ =	swait.ge [sflag:s16], $0x20  }
0x1e: {  	[sflag:s16] =	ssyncset.done $0x0  }
0x1f: {  	[sflag:s16] =	ssyncadd.s32 $0xFFFFFFE0  }
0x20: {  	v3 =	vld [tilespmem:$0x0];
	_ =	sdelay $0x4  }
0x21: {  	v4 =	vshll.u32 v3, $0x3  }
0x22: {  	v3 =	vand.u32 $0x7, v3;
	v4 =	vand.u32 $0xFFFFFFC0, v4  }
0x23: {  	v3 =	vor.u32 v3, v4  }
0x24: {  	v4 =	vperm.xlane v3, v0;
	_ =	sdelay $0x1  }
0x25: {  	v4 =	vadd.s32 v1, v4;
	_ =	sdelay $0x3  }
0x26: {  	s4 =	simm.s32 $0x100  }
0x27: {  	[tilespmem:s4], [sflag:$0x1] =	stream.indirect_vreg.gather [hbm4b:s3+s1], $0x80, v4, vm0, $0xb8;
	[tilespmem:$0x18100] =	vst v63  }
0x28: {  	s2 =	simm.s32 $0x900;
	v3 =	vperm.xlane v3, v2  }
0x29: {  	[tilespmem:s2], [sflag:$0x1] =	stream.indirect_vreg.gather [hbm4b:s6+s1], $0x80, v4, vm0, $0xb8;
	[tilespmem:$0x18100] =	vst v63  }
0x2a: {  	v3 =	vadd.s32 v1, v3;
	s4 =	simm.s32 $0x1100  }
0x2b: {  	[tilespmem:s4], [sflag:$0x1] =	stream.indirect_vreg.gather [hbm4b:s7+s1], $0x80, v4, vm0, $0xb8;
	[tilespmem:$0x18100] =	vst v63  }
0x2c: {  	s2 =	simm.s32 $0x1900  }
0x2d: {  	[tilespmem:s2], [sflag:$0x1] =	stream.indirect_vreg.gather [hbm4b:s8+s1], $0x80, v4, vm0, $0xb8;
	[tilespmem:$0x18100] =	vst v63  }
0x2e: {  	s4 =	simm.s32 $0x2100  }
0x2f: {  	[tilespmem:s4], [sflag:$0x1] =	stream.indirect_vreg.gather [hbm4b:s3+s1], $0x80, v3, vm0, $0xb8;
	[tilespmem:$0x18100] =	vst v63  }
0x30: {  	s2 =	simm.s32 $0x2900  }
0x31: {  	[tilespmem:s2], [sflag:$0x1] =	stream.indirect_vreg.gather [hbm4b:s6+s1], $0x80, v3, vm0, $0xb8;
	[tilespmem:$0x18100] =	vst v63  }
0x32: {  	s4 =	simm.s32 $0x3100  }
0x33: {  	[tilespmem:s4], [sflag:$0x1] =	stream.indirect_vreg.gather [hbm4b:s7+s1], $0x80, v3, vm0, $0xb8;
	[tilespmem:$0x18100] =	vst v63  }
0x34: {  	s2 =	simm.s32 $0x3900  }
0x35: {  	[tilespmem:s2], [sflag:$0x1] =	stream.indirect_vreg.gather [hbm4b:s8+s1], $0x80, v3, vm0, $0xb8;
	[tilespmem:$0x18100] =	vst v63  }
0x36: {  	v3 =	vld [tilespmem:$0x10];
	_ =	sdelay $0x4  }
0x37: {  	v4 =	vshll.u32 v3, $0x3  }
0x38: {  	v3 =	vand.u32 $0x7, v3;
	v4 =	vand.u32 $0xFFFFFFC0, v4  }
0x39: {  	v3 =	vor.u32 v3, v4  }
0x3a: {  	v4 =	vperm.xlane v3, v0;
	_ =	sdelay $0x1  }
0x3b: {  	v4 =	vadd.s32 v1, v4;
	_ =	sdelay $0x3  }
0x3c: {  	s4 =	simm.s32 $0x4100  }
0x3d: {  	[tilespmem:s4], [sflag:$0x1] =	stream.indirect_vreg.gather [hbm4b:s3+s1], $0x80, v4, vm0, $0xb8;
	[tilespmem:$0x18100] =	vst v63  }
0x3e: {  	s2 =	simm.s32 $0x4900;
	v3 =	vperm.xlane v3, v2  }
0x3f: {  	[tilespmem:s2], [sflag:$0x1] =	stream.indirect_vreg.gather [hbm4b:s6+s1], $0x80, v4, vm0, $0xb8;
	[tilespmem:$0x18100] =	vst v63  }
0x40: {  	v3 =	vadd.s32 v1, v3;
	s4 =	simm.s32 $0x5100  }
0x41: {  	[tilespmem:s4], [sflag:$0x1] =	stream.indirect_vreg.gather [hbm4b:s7+s1], $0x80, v4, vm0, $0xb8;
	[tilespmem:$0x18100] =	vst v63  }
0x42: {  	s2 =	simm.s32 $0x5900  }
0x43: {  	[tilespmem:s2], [sflag:$0x1] =	stream.indirect_vreg.gather [hbm4b:s8+s1], $0x80, v4, vm0, $0xb8;
	[tilespmem:$0x18100] =	vst v63  }
0x44: {  	s4 =	simm.s32 $0x6100  }
0x45: {  	[tilespmem:s4], [sflag:$0x1] =	stream.indirect_vreg.gather [hbm4b:s3+s1], $0x80, v3, vm0, $0xb8;
	[tilespmem:$0x18100] =	vst v63  }
0x46: {  	s2 =	simm.s32 $0x6900  }
0x47: {  	[tilespmem:s2], [sflag:$0x1] =	stream.indirect_vreg.gather [hbm4b:s6+s1], $0x80, v3, vm0, $0xb8;
	[tilespmem:$0x18100] =	vst v63  }
0x48: {  	s4 =	simm.s32 $0x7100  }
0x49: {  	[tilespmem:s4], [sflag:$0x1] =	stream.indirect_vreg.gather [hbm4b:s7+s1], $0x80, v3, vm0, $0xb8;
	[tilespmem:$0x18100] =	vst v63  }
0x4a: {  	s2 =	simm.s32 $0x7900  }
0x4b: {  	[tilespmem:s2], [sflag:$0x1] =	stream.indirect_vreg.gather [hbm4b:s8+s1], $0x80, v3, vm0, $0xb8;
	[tilespmem:$0x18100] =	vst v63  }
0x4c: {  	v3 =	vld [tilespmem:$0x80];
	_ =	sdelay $0x4  }
0x4d: {  	v4 =	vshll.u32 v3, $0x3  }
0x4e: {  	v3 =	vand.u32 $0x7, v3;
	v4 =	vand.u32 $0xFFFFFFC0, v4  }
0x4f: {  	v3 =	vor.u32 v3, v4  }
0x50: {  	v4 =	vperm.xlane v3, v0;
	_ =	sdelay $0x1  }
0x51: {  	v4 =	vadd.s32 v1, v4;
	_ =	sdelay $0x4  }
0x52: {  	[tilespmem:s5], [sflag:$0x1] =	stream.indirect_vreg.gather [hbm4b:s3+s1], $0x80, v4, vm0, $0xb8;
	[tilespmem:$0x18100] =	vst v63  }
0x53: {  	v3 =	vperm.xlane v3, v2  }
0x54: {  	[tilespmem:s9], [sflag:$0x1] =	stream.indirect_vreg.gather [hbm4b:s6+s1], $0x80, v4, vm0, $0xb8;
	[tilespmem:$0x18100] =	vst v63  }
0x55: {  	v3 =	vadd.s32 v1, v3  }
0x56: {  	[tilespmem:s10], [sflag:$0x1] =	stream.indirect_vreg.gather [hbm4b:s7+s1], $0x80, v4, vm0, $0xb8;
	[tilespmem:$0x18100] =	vst v63  }
0x57: {  	_ = 	snop  }
0x58: {  	[tilespmem:s17], [sflag:$0x1] =	stream.indirect_vreg.gather [hbm4b:s8+s1], $0x80, v4, vm0, $0xb8;
	[tilespmem:$0x18100] =	vst v63  }
0x59: {  	_ = 	snop  }
0x5a: {  	[tilespmem:s18], [sflag:$0x1] =	stream.indirect_vreg.gather [hbm4b:s3+s1], $0x80, v3, vm0, $0xb8;
	[tilespmem:$0x18100] =	vst v63  }
0x5b: {  	_ = 	snop  }
0x5c: {  	[tilespmem:s19], [sflag:$0x1] =	stream.indirect_vreg.gather [hbm4b:s6+s1], $0x80, v3, vm0, $0xb8;
	[tilespmem:$0x18100] =	vst v63  }
0x5d: {  	_ = 	snop  }
0x5e: {  	[tilespmem:s11], [sflag:$0x1] =	stream.indirect_vreg.gather [hbm4b:s7+s1], $0x80, v3, vm0, $0xb8;
	[tilespmem:$0x18100] =	vst v63  }
0x5f: {  	_ = 	snop  }
0x60: {  	[tilespmem:s20], [sflag:$0x1] =	stream.indirect_vreg.gather [hbm4b:s8+s1], $0x80, v3, vm0, $0xb8;
	[tilespmem:$0x18100] =	vst v63  }
0x61: {  	v3 =	vld [tilespmem:$0x90];
	_ =	sdelay $0x4  }
0x62: {  	v4 =	vshll.u32 v3, $0x3  }
0x63: {  	v3 =	vand.u32 $0x7, v3;
	v4 =	vand.u32 $0xFFFFFFC0, v4  }
0x64: {  	v3 =	vor.u32 v3, v4  }
0x65: {  	v4 =	vperm.xlane v3, v0;
	_ =	sdelay $0x1  }
0x66: {  	v4 =	vadd.s32 v1, v4;
	_ =	sdelay $0x4  }
0x67: {  	[tilespmem:s12], [sflag:$0x1] =	stream.indirect_vreg.gather [hbm4b:s3+s1], $0x80, v4, vm0, $0xb8;
	[tilespmem:$0x18100] =	vst v63  }
0x68: {  	v3 =	vperm.xlane v3, v2  }
0x69: {  	[tilespmem:s21], [sflag:$0x1] =	stream.indirect_vreg.gather [hbm4b:s6+s1], $0x80, v4, vm0, $0xb8;
	[tilespmem:$0x18100] =	vst v63  }
0x6a: {  	v3 =	vadd.s32 v1, v3  }
0x6b: {  	[tilespmem:s13], [sflag:$0x1] =	stream.indirect_vreg.gather [hbm4b:s7+s1], $0x80, v4, vm0, $0xb8;
	[tilespmem:$0x18100] =	vst v63  }
0x6c: {  	_ = 	snop  }
0x6d: {  	[tilespmem:s22], [sflag:$0x1] =	stream.indirect_vreg.gather [hbm4b:s8+s1], $0x80, v4, vm0, $0xb8;
	[tilespmem:$0x18100] =	vst v63  }
0x6e: {  	_ = 	snop  }
0x6f: {  	[tilespmem:s14], [sflag:$0x1] =	stream.indirect_vreg.gather [hbm4b:s3+s1], $0x80, v3, vm0, $0xb8;
	[tilespmem:$0x18100] =	vst v63  }
0x70: {  	_ = 	snop  }
0x71: {  	[tilespmem:s23], [sflag:$0x1] =	stream.indirect_vreg.gather [hbm4b:s6+s1], $0x80, v3, vm0, $0xb8;
	[tilespmem:$0x18100] =	vst v63  }
0x72: {  	_ = 	snop  }
0x73: {  	[tilespmem:s15], [sflag:$0x1] =	stream.indirect_vreg.gather [hbm4b:s7+s1], $0x80, v3, vm0, $0xb8;
	[tilespmem:$0x18100] =	vst v63  }
0x74: {  	_ = 	snop  }
0x75: {  	[tilespmem:s24], [sflag:$0x1] =	stream.indirect_vreg.gather [hbm4b:s8+s1], $0x80, v3, vm0, $0xb8;
	[tilespmem:$0x18100] =	vst v63  }
0x76: {  	s4 =	rddreg [dreg:$0x5]  }
0x77: {  	[tilespmem:s25], [sflag:$0x1] =	stream.linear.gather [hbm4b:s4+s1], $0x8000, $0x38;
	[tilespmem:$0x18100] =	vst v63  }
0x78: {  	_ =	swait.ge [sflag:s26], $0x8000  }
0x79: {  	[sflag:s26] =	ssyncset.done $0x0  }
0x7a: {  	[sflag:s26] =	ssyncadd.s32 $0xFFFF8000  }
0x7b: {  	_ =	swait.ge [sflag:s26], $0x8000  }
0x7c: {  	[sflag:s26] =	ssyncset.done $0x0  }
0x7d: {  	s29 =	simm.s32 $0x0;
	s30 =	sand.u32 $0x1C00, s1;
	[sflag:s26] =	ssyncadd.s32 $0xFFFF8000  }
0x7e: {  	s31 =	simm.s32 $0x0;
	s29 =	sand.u32 $0x6000, s29;
	_ =	swait.ge [sflag:s26], $0x8000  }
0x7f: {  	s29 =	sor.u32 s30, s29;
	s30 =	sand.u32 $0x380, s31;
	[sflag:s26] =	ssyncset.done $0x0  }
0x80: {  	s29 =	sor.u32 s30, s29;
	[sflag:s26] =	ssyncadd.s32 $0xFFFF8000  }
0x81: {  	v3 =	vld [tilespmem:s29+$0x10170]  }
0x82: {  	v4 =	vld [tilespmem:s29+$0x170]  }
0x83: {  	v5 =	vld [tilespmem:s29+$0x10100]  }
0x84: {  	v6 =	vld [tilespmem:s29+$0x8170]  }
0x85: {  	v7 =	vld [tilespmem:s29+$0x100]  }
0x86: {  	v12 =	vld [tilespmem:s29+$0x10110]  }
0x87: {  	v13 =	vld [tilespmem:s29+$0x110]  }
0x88: {  	v14 =	vld [tilespmem:s29+$0x10120]  }
0x89: {  	v15 =	vld [tilespmem:s29+$0x120]  }
0x8a: {  	v16 =	vld [tilespmem:s29+$0x10130]  }
0x8b: {  	v17 =	vld [tilespmem:s29+$0x130]  }
0x8c: {  	v18 =	vld [tilespmem:s29+$0x10140]  }
0x8d: {  	v19 =	vld [tilespmem:s29+$0x140]  }
0x8e: {  	v10 =	vld [tilespmem:s29+$0x10150]  }
0x8f: {  	v11 =	vld [tilespmem:s29+$0x150];
	v3 =	vadd.f32 v4, v3  }
0x90: {  	v8 =	vld [tilespmem:s29+$0x10160]  }
0x91: {  	v9 =	vld [tilespmem:s29+$0x160];
	v4 =	vadd.f32 v15, v14;
	v20 =	vadd.f32 v6, v3  }
0x92: {  	v3 =	vadd.f32 v7, v5;
	v6 =	vadd.f32 v13, v12;
	v12 =	vld [tilespmem:s29+$0x8100]  }
0x93: {  	s31 =	simm.s32 $0x0;
	s30 =	simm.s32 $0x0;
	v5 =	vadd.f32 v17, v16;
	v7 =	vadd.f32 v19, v18;
	v13 =	vld [tilespmem:s29+$0x8110];
	[tilespmem:s29+$0x10170] =	vst v20  }
.LBB2_2:
0x94: {  	s30 =	sadd.s32 $0x8, s30;
	v14 =	vld [tilespmem:s29+$0x8120];
	v10 =	vadd.f32 v11, v10  }
0x95: {  	s31 =	sadd.s32 $0x400, s31;
	s0 =	sshll.u32 s30, $0x4;
	p0 =	slt.u32 s30, $0x7F8;
	v11 =	vld [tilespmem:s29+$0x8130]  }
0x96: {  	s2 =	sand.u32 $0x1C00, s31;
	s4 =	sshll.u32 s30, $0x1;
	s0 =	sand.u32 $0x6000, s0;
	v15 =	vld [tilespmem:s29+$0x8140];
	v8 =	vadd.f32 v9, v8  }
0x97: {  	s0 =	sor.u32 s2, s0;
	s2 =	sand.u32 $0x380, s4;
	v3 =	vadd.f32 v12, v3;
	v9 =	vld [tilespmem:s29+$0x8150]  }
0x98: {  	s0 =	sor.u32 s2, s0;
	v6 =	vadd.f32 v13, v6;
	v12 =	vld [tilespmem:s29+$0x8160]  }
0x99: {  	v13 =	vld [tilespmem:s0+$0x10170];
	[tilespmem:s29+$0x10100] =	vst v3;
	v3 =	vadd.f32 v14, v4  }
0x9a: {  	v4 =	vld [tilespmem:s0+$0x170];
	[tilespmem:s29+$0x10110] =	vst v6;
	v5 =	vadd.f32 v11, v5  }
0x9b: {  	v6 =	vld [tilespmem:s0+$0x10100];
	[tilespmem:s29+$0x10120] =	vst v3;
	v3 =	vadd.f32 v15, v7  }
0x9c: {  	v7 =	vld [tilespmem:s0+$0x8170];
	[tilespmem:s29+$0x10130] =	vst v5;
	v5 =	vadd.f32 v9, v10  }
0x9d: {  	v9 =	vld [tilespmem:s0+$0x100];
	[tilespmem:s29+$0x10140] =	vst v3;
	v3 =	vadd.f32 v12, v8  }
0x9e: {  	v8 =	vld [tilespmem:s0+$0x10110];
	[tilespmem:s29+$0x10150] =	vst v5  }
0x9f: {  	v5 =	vld [tilespmem:s0+$0x110];
	v4 =	vadd.f32 v4, v13;
	[tilespmem:s29+$0x10160] =	vst v3;
	s29 =	smov.u32 s0  }
0xa0: {  	v10 =	vld [tilespmem:s29+$0x10120]  }
0xa1: {  	v11 =	vld [tilespmem:s29+$0x120];
	v4 =	vadd.f32 v7, v4  }
0xa2: {  	v3 =	vadd.f32 v9, v6;
	v7 =	vld [tilespmem:s29+$0x10130]  }
0xa3: {  	v9 =	vld [tilespmem:s29+$0x130];
	[tilespmem:s29+$0x10170] =	vst v4  }
0xa4: {  	v6 =	vadd.f32 v5, v8;
	v13 =	vld [tilespmem:s29+$0x10140]  }
0xa5: {  	v14 =	vld [tilespmem:s29+$0x140]  }
0xa6: {  	v4 =	vadd.f32 v11, v10;
	v10 =	vld [tilespmem:s29+$0x10150]  }
.Ltmp0:
0xa7: {  	v11 =	vld [tilespmem:s29+$0x150];
	(pc) =	sbr.rel @p0 .LBB2_2-.Ltmp0, $4  }
0xa8: {  	v5 =	vadd.f32 v9, v7;
	v8 =	vld [tilespmem:s29+$0x10160]  }
0xa9: {  	v9 =	vld [tilespmem:s29+$0x160]  }
0xaa: {  	v12 =	vld [tilespmem:s29+$0x8100];
	v7 =	vadd.f32 v14, v13  }
0xab: {  	v13 =	vld [tilespmem:s29+$0x8110]  }
0xac: {  	v14 =	vld [tilespmem:s29+$0x8120]  }
0xad: {  	v15 =	vld [tilespmem:s29+$0x8130]  }
0xae: {  	v16 =	vld [tilespmem:s29+$0x8140]  }
0xaf: {  	v3 =	vadd.f32 v12, v3;
	v12 =	vld [tilespmem:s29+$0x8150]  }
0xb0: {  	v6 =	vadd.f32 v13, v6;
	v13 =	vld [tilespmem:s29+$0x8160]  }
0xb1: {  	[tilespmem:s29+$0x10100] =	vst v3;
	v3 =	vadd.f32 v14, v4  }
0xb2: {  	v4 =	vadd.f32 v11, v10;
	v5 =	vadd.f32 v15, v5;
	[tilespmem:s29+$0x10110] =	vst v6  }
0xb3: {  	v6 =	vadd.f32 v9, v8;
	[tilespmem:s29+$0x10120] =	vst v3;
	v3 =	vadd.f32 v16, v7  }
0xb4: {  	[tilespmem:s29+$0x10130] =	vst v5;
	v4 =	vadd.f32 v12, v4  }
0xb5: {  	[tilespmem:s29+$0x10140] =	vst v3;
	v3 =	vadd.f32 v13, v6  }
0xb6: {  	[tilespmem:s29+$0x10150] =	vst v4  }
0xb7: {  	[tilespmem:s29+$0x10160] =	vst v3  }
0xb8: {  	s29 =	simm.s32 $0x0;
	s0 =	rddreg [dreg:$0x6]  }
0xb9: {  	[hbm4b:s0+s29] =	stream.linear.scatter [tilespmem:s25], [sflag:$0x2], $0x8000, $0x38;
	[tilespmem:$0x18100] =	vst v63  }
0xba: {  	_ =	swait.ge [sflag:s16], $0x8000  }
0xbb: {  	[sflag:s16] =	ssyncset.done $0x0  }
0xbc: {  	s2 =	rddreg [dreg:$0x7];
	[sflag:s16] =	ssyncadd.s32 $0xFFFF8000  }
0xbd: {  	[tilespmem:s29], [sflag:$0x2] =	stream.linear.gather [hbm4b:s2+s29], $0x20, $0x38;
	[tilespmem:$0x18100] =	vst v63  }
0xbe: {  	_ =	swait.ge [sflag:s16], $0x20  }
0xbf: {  	[sflag:s16] =	ssyncset.done $0x0  }
0xc0: {  	s2 =	simm.s32 $0x80;
	s4 =	rddreg [dreg:$0x8];
	[sflag:s16] =	ssyncadd.s32 $0xFFFFFFE0  }
0xc1: {  	[tilespmem:s2], [sflag:$0x2] =	stream.linear.gather [hbm4b:s4+s29], $0x20, $0x38;
	[tilespmem:$0x18100] =	vst v63  }
0xc2: {  	_ =	swait.ge [sflag:s16], $0x20  }
0xc3: {  	[sflag:s16] =	ssyncset.done $0x0  }
0xc4: {  	[sflag:s16] =	ssyncadd.s32 $0xFFFFFFE0  }
0xc5: {  	v3 =	vld [tilespmem:$0x0];
	_ =	sdelay $0x4  }
0xc6: {  	v4 =	vshll.u32 v3, $0x3  }
0xc7: {  	v3 =	vand.u32 $0x7, v3;
	v4 =	vand.u32 $0xFFFFFFC0, v4  }
0xc8: {  	v3 =	vor.u32 v3, v4  }
0xc9: {  	v4 =	vperm.xlane v3, v0;
	_ =	sdelay $0x1  }
0xca: {  	v4 =	vadd.s32 v1, v4;
	_ =	sdelay $0x3  }
0xcb: {  	s4 =	simm.s32 $0x100  }
0xcc: {  	[tilespmem:s4], [sflag:$0x1] =	stream.indirect_vreg.gather [hbm4b:s3+s29], $0x80, v4, vm0, $0xb8;
	[tilespmem:$0x18100] =	vst v63  }
0xcd: {  	s2 =	simm.s32 $0x900;
	v3 =	vperm.xlane v3, v2  }
0xce: {  	[tilespmem:s2], [sflag:$0x1] =	stream.indirect_vreg.gather [hbm4b:s6+s29], $0x80, v4, vm0, $0xb8;
	[tilespmem:$0x18100] =	vst v63  }
0xcf: {  	v3 =	vadd.s32 v1, v3;
	s4 =	simm.s32 $0x1100  }
0xd0: {  	[tilespmem:s4], [sflag:$0x1] =	stream.indirect_vreg.gather [hbm4b:s7+s29], $0x80, v4, vm0, $0xb8;
	[tilespmem:$0x18100] =	vst v63  }
0xd1: {  	s2 =	simm.s32 $0x1900  }
0xd2: {  	[tilespmem:s2], [sflag:$0x1] =	stream.indirect_vreg.gather [hbm4b:s8+s29], $0x80, v4, vm0, $0xb8;
	[tilespmem:$0x18100] =	vst v63  }
0xd3: {  	s4 =	simm.s32 $0x2100  }
0xd4: {  	[tilespmem:s4], [sflag:$0x1] =	stream.indirect_vreg.gather [hbm4b:s3+s29], $0x80, v3, vm0, $0xb8;
	[tilespmem:$0x18100] =	vst v63  }
0xd5: {  	s2 =	simm.s32 $0x2900  }
0xd6: {  	[tilespmem:s2], [sflag:$0x1] =	stream.indirect_vreg.gather [hbm4b:s6+s29], $0x80, v3, vm0, $0xb8;
	[tilespmem:$0x18100] =	vst v63  }
0xd7: {  	s4 =	simm.s32 $0x3100  }
0xd8: {  	[tilespmem:s4], [sflag:$0x1] =	stream.indirect_vreg.gather [hbm4b:s7+s29], $0x80, v3, vm0, $0xb8;
	[tilespmem:$0x18100] =	vst v63  }
0xd9: {  	s2 =	simm.s32 $0x3900  }
0xda: {  	[tilespmem:s2], [sflag:$0x1] =	stream.indirect_vreg.gather [hbm4b:s8+s29], $0x80, v3, vm0, $0xb8;
	[tilespmem:$0x18100] =	vst v63  }
0xdb: {  	v3 =	vld [tilespmem:$0x10];
	_ =	sdelay $0x4  }
0xdc: {  	v4 =	vshll.u32 v3, $0x3  }
0xdd: {  	v3 =	vand.u32 $0x7, v3;
	v4 =	vand.u32 $0xFFFFFFC0, v4  }
0xde: {  	v3 =	vor.u32 v3, v4  }
0xdf: {  	v4 =	vperm.xlane v3, v0;
	_ =	sdelay $0x1  }
0xe0: {  	v4 =	vadd.s32 v1, v4;
	_ =	sdelay $0x3  }
0xe1: {  	s4 =	simm.s32 $0x4100  }
0xe2: {  	[tilespmem:s4], [sflag:$0x1] =	stream.indirect_vreg.gather [hbm4b:s3+s29], $0x80, v4, vm0, $0xb8;
	[tilespmem:$0x18100] =	vst v63  }
0xe3: {  	s2 =	simm.s32 $0x4900;
	v3 =	vperm.xlane v3, v2  }
0xe4: {  	[tilespmem:s2], [sflag:$0x1] =	stream.indirect_vreg.gather [hbm4b:s6+s29], $0x80, v4, vm0, $0xb8;
	[tilespmem:$0x18100] =	vst v63  }
0xe5: {  	v3 =	vadd.s32 v1, v3;
	s4 =	simm.s32 $0x5100  }
0xe6: {  	[tilespmem:s4], [sflag:$0x1] =	stream.indirect_vreg.gather [hbm4b:s7+s29], $0x80, v4, vm0, $0xb8;
	[tilespmem:$0x18100] =	vst v63  }
0xe7: {  	s2 =	simm.s32 $0x5900  }
0xe8: {  	[tilespmem:s2], [sflag:$0x1] =	stream.indirect_vreg.gather [hbm4b:s8+s29], $0x80, v4, vm0, $0xb8;
	[tilespmem:$0x18100] =	vst v63  }
0xe9: {  	s4 =	simm.s32 $0x6100  }
0xea: {  	[tilespmem:s4], [sflag:$0x1] =	stream.indirect_vreg.gather [hbm4b:s3+s29], $0x80, v3, vm0, $0xb8;
	[tilespmem:$0x18100] =	vst v63  }
0xeb: {  	s2 =	simm.s32 $0x6900  }
0xec: {  	[tilespmem:s2], [sflag:$0x1] =	stream.indirect_vreg.gather [hbm4b:s6+s29], $0x80, v3, vm0, $0xb8;
	[tilespmem:$0x18100] =	vst v63  }
0xed: {  	s4 =	simm.s32 $0x7100  }
0xee: {  	[tilespmem:s4], [sflag:$0x1] =	stream.indirect_vreg.gather [hbm4b:s7+s29], $0x80, v3, vm0, $0xb8;
	[tilespmem:$0x18100] =	vst v63  }
0xef: {  	s2 =	simm.s32 $0x7900  }
0xf0: {  	[tilespmem:s2], [sflag:$0x1] =	stream.indirect_vreg.gather [hbm4b:s8+s29], $0x80, v3, vm0, $0xb8;
	[tilespmem:$0x18100] =	vst v63  }
0xf1: {  	v3 =	vld [tilespmem:$0x80];
	_ =	sdelay $0x4  }
0xf2: {  	v4 =	vshll.u32 v3, $0x3  }
0xf3: {  	v3 =	vand.u32 $0x7, v3;
	v4 =	vand.u32 $0xFFFFFFC0, v4  }
0xf4: {  	v3 =	vor.u32 v3, v4  }
0xf5: {  	v4 =	vperm.xlane v3, v0;
	_ =	sdelay $0x1  }
0xf6: {  	v4 =	vadd.s32 v1, v4;
	_ =	sdelay $0x4  }
0xf7: {  	[tilespmem:s5], [sflag:$0x1] =	stream.indirect_vreg.gather [hbm4b:s3+s29], $0x80, v4, vm0, $0xb8;
	[tilespmem:$0x18100] =	vst v63  }
0xf8: {  	v3 =	vperm.xlane v3, v2  }
0xf9: {  	[tilespmem:s9], [sflag:$0x1] =	stream.indirect_vreg.gather [hbm4b:s6+s29], $0x80, v4, vm0, $0xb8;
	[tilespmem:$0x18100] =	vst v63  }
0xfa: {  	v3 =	vadd.s32 v1, v3  }
0xfb: {  	[tilespmem:s10], [sflag:$0x1] =	stream.indirect_vreg.gather [hbm4b:s7+s29], $0x80, v4, vm0, $0xb8;
	[tilespmem:$0x18100] =	vst v63  }
0xfc: {  	_ = 	snop  }
0xfd: {  	[tilespmem:s17], [sflag:$0x1] =	stream.indirect_vreg.gather [hbm4b:s8+s29], $0x80, v4, vm0, $0xb8;
	[tilespmem:$0x18100] =	vst v63  }
0xfe: {  	_ = 	snop  }
0xff: {  	[tilespmem:s18], [sflag:$0x1] =	stream.indirect_vreg.gather [hbm4b:s3+s29], $0x80, v3, vm0, $0xb8;
	[tilespmem:$0x18100] =	vst v63  }
0x100: {  	_ = 	snop  }
0x101: {  	[tilespmem:s19], [sflag:$0x1] =	stream.indirect_vreg.gather [hbm4b:s6+s29], $0x80, v3, vm0, $0xb8;
	[tilespmem:$0x18100] =	vst v63  }
0x102: {  	_ = 	snop  }
0x103: {  	[tilespmem:s11], [sflag:$0x1] =	stream.indirect_vreg.gather [hbm4b:s7+s29], $0x80, v3, vm0, $0xb8;
	[tilespmem:$0x18100] =	vst v63  }
0x104: {  	_ = 	snop  }
0x105: {  	[tilespmem:s20], [sflag:$0x1] =	stream.indirect_vreg.gather [hbm4b:s8+s29], $0x80, v3, vm0, $0xb8;
	[tilespmem:$0x18100] =	vst v63  }
0x106: {  	v3 =	vld [tilespmem:$0x90];
	_ =	sdelay $0x4  }
0x107: {  	v4 =	vshll.u32 v3, $0x3  }
0x108: {  	v3 =	vand.u32 $0x7, v3;
	v4 =	vand.u32 $0xFFFFFFC0, v4  }
0x109: {  	v3 =	vor.u32 v3, v4  }
0x10a: {  	v4 =	vperm.xlane v3, v0;
	_ =	sdelay $0x1  }
0x10b: {  	v4 =	vadd.s32 v1, v4;
	_ =	sdelay $0x4  }
0x10c: {  	[tilespmem:s12], [sflag:$0x1] =	stream.indirect_vreg.gather [hbm4b:s3+s29], $0x80, v4, vm0, $0xb8;
	[tilespmem:$0x18100] =	vst v63  }
0x10d: {  	v3 =	vperm.xlane v3, v2  }
0x10e: {  	[tilespmem:s21], [sflag:$0x1] =	stream.indirect_vreg.gather [hbm4b:s6+s29], $0x80, v4, vm0, $0xb8;
	[tilespmem:$0x18100] =	vst v63  }
0x10f: {  	v3 =	vadd.s32 v1, v3  }
0x110: {  	[tilespmem:s13], [sflag:$0x1] =	stream.indirect_vreg.gather [hbm4b:s7+s29], $0x80, v4, vm0, $0xb8;
	[tilespmem:$0x18100] =	vst v63  }
0x111: {  	_ = 	snop  }
0x112: {  	[tilespmem:s22], [sflag:$0x1] =	stream.indirect_vreg.gather [hbm4b:s8+s29], $0x80, v4, vm0, $0xb8;
	[tilespmem:$0x18100] =	vst v63  }
0x113: {  	_ = 	snop  }
0x114: {  	[tilespmem:s14], [sflag:$0x1] =	stream.indirect_vreg.gather [hbm4b:s3+s29], $0x80, v3, vm0, $0xb8;
	[tilespmem:$0x18100] =	vst v63  }
0x115: {  	_ = 	snop  }
0x116: {  	[tilespmem:s23], [sflag:$0x1] =	stream.indirect_vreg.gather [hbm4b:s6+s29], $0x80, v3, vm0, $0xb8;
	[tilespmem:$0x18100] =	vst v63  }
0x117: {  	_ = 	snop  }
0x118: {  	[tilespmem:s15], [sflag:$0x1] =	stream.indirect_vreg.gather [hbm4b:s7+s29], $0x80, v3, vm0, $0xb8;
	[tilespmem:$0x18100] =	vst v63  }
0x119: {  	_ = 	snop  }
0x11a: {  	[tilespmem:s24], [sflag:$0x1] =	stream.indirect_vreg.gather [hbm4b:s8+s29], $0x80, v3, vm0, $0xb8;
	[tilespmem:$0x18100] =	vst v63  }
0x11b: {  	s4 =	rddreg [dreg:$0x9]  }
0x11c: {  	[tilespmem:s25], [sflag:$0x1] =	stream.linear.gather [hbm4b:s4+s29], $0x8000, $0x38;
	[tilespmem:$0x18100] =	vst v63  }
0x11d: {  	_ =	swait.ge [sflag:s26], $0x8000  }
0x11e: {  	[sflag:s26] =	ssyncset.done $0x0  }
0x11f: {  	[sflag:s26] =	ssyncadd.s32 $0xFFFF8000  }
0x120: {  	_ =	swait.ge [sflag:s26], $0x8000  }
0x121: {  	s2 =	simm.s32 $0x0;
	[sflag:s26] =	ssyncset.done $0x0  }
0x122: {  	s0 =	sand.u32 $0x6000, s2;
	[sflag:s26] =	ssyncadd.s32 $0xFFFF8000  }
0x123: {  	s2 =	sand.u32 $0x1C00, s29;
	s4 =	simm.s32 $0x0;
	_ =	swait.ge [sflag:s26], $0x8000  }
0x124: {  	s0 =	sor.u32 s2, s0;
	s4 =	sand.u32 $0x380, s4;
	[sflag:s26] =	ssyncset.done $0x0  }
0x125: {  	s30 =	sor.u32 s4, s0;
	[sflag:s26] =	ssyncadd.s32 $0xFFFF8000  }
0x126: {  	v3 =	vld [tilespmem:s30+$0x10170]  }
0x127: {  	v4 =	vld [tilespmem:s30+$0x170]  }
0x128: {  	v5 =	vld [tilespmem:s30+$0x10100]  }
0x129: {  	v6 =	vld [tilespmem:s30+$0x8170]  }
0x12a: {  	v7 =	vld [tilespmem:s30+$0x100]  }
0x12b: {  	v12 =	vld [tilespmem:s30+$0x10110]  }
0x12c: {  	v13 =	vld [tilespmem:s30+$0x110]  }
0x12d: {  	v14 =	vld [tilespmem:s30+$0x10120]  }
0x12e: {  	v15 =	vld [tilespmem:s30+$0x120]  }
0x12f: {  	v63 =	vld [tilespmem:s30+$0x10130]  }
0x130: {  	v17 =	vld [tilespmem:s30+$0x130]  }
0x131: {  	v18 =	vld [tilespmem:s30+$0x10140]  }
0x132: {  	v19 =	vld [tilespmem:s30+$0x140]  }
0x133: {  	v10 =	vld [tilespmem:s30+$0x10150]  }
0x134: {  	v11 =	vld [tilespmem:s30+$0x150];
	v3 =	vadd.f32 v4, v3  }
0x135: {  	v8 =	vld [tilespmem:s30+$0x10160]  }
0x136: {  	v9 =	vld [tilespmem:s30+$0x160];
	v4 =	vadd.f32 v15, v14;
	v6 =	vadd.f32 v6, v3  }
0x137: {  	v3 =	vadd.f32 v7, v5;
	v5 =	vadd.f32 v13, v12;
	v12 =	vld [tilespmem:s30+$0x8100]  }
0x138: {  	s31 =	simm.s32 $0x0;
	v7 =	vadd.f32 v19, v18;
	v13 =	vld [tilespmem:s30+$0x8110];
	[tilespmem:s30+$0x10170] =	vst v6;
	v6 =	vadd.f32 v17, v63  }
.LBB2_4:
0x139: {  	s31 =	sadd.s32 $0x8, s31;
	v14 =	vld [tilespmem:s30+$0x8120];
	v10 =	vadd.f32 v11, v10  }
0x13a: {  	s29 =	sadd.s32 $0x400, s29;
	s0 =	sshll.u32 s31, $0x4;
	p0 =	slt.u32 s31, $0x7F8;
	v11 =	vld [tilespmem:s30+$0x8130]  }
0x13b: {  	s2 =	sand.u32 $0x1C00, s29;
	s4 =	sshll.u32 s31, $0x1;
	s0 =	sand.u32 $0x6000, s0;
	v15 =	vld [tilespmem:s30+$0x8140];
	v8 =	vadd.f32 v9, v8  }
0x13c: {  	s0 =	sor.u32 s2, s0;
	s2 =	sand.u32 $0x380, s4;
	v3 =	vadd.f32 v12, v3;
	v9 =	vld [tilespmem:s30+$0x8150]  }
0x13d: {  	s0 =	sor.u32 s2, s0;
	v5 =	vadd.f32 v13, v5;
	v12 =	vld [tilespmem:s30+$0x8160]  }
0x13e: {  	v13 =	vld [tilespmem:s0+$0x10170];
	[tilespmem:s30+$0x10100] =	vst v3;
	v3 =	vadd.f32 v14, v4  }
0x13f: {  	v4 =	vld [tilespmem:s0+$0x170];
	[tilespmem:s30+$0x10110] =	vst v5;
	v5 =	vadd.f32 v11, v6  }
0x140: {  	v6 =	vld [tilespmem:s0+$0x10100];
	[tilespmem:s30+$0x10120] =	vst v3;
	v3 =	vadd.f32 v15, v7  }
0x141: {  	v7 =	vld [tilespmem:s0+$0x8170];
	[tilespmem:s30+$0x10130] =	vst v5;
	v5 =	vadd.f32 v9, v10  }
0x142: {  	v9 =	vld [tilespmem:s0+$0x100];
	[tilespmem:s30+$0x10140] =	vst v3;
	v3 =	vadd.f32 v12, v8  }
0x143: {  	v8 =	vld [tilespmem:s0+$0x10110];
	[tilespmem:s30+$0x10150] =	vst v5  }
0x144: {  	v5 =	vld [tilespmem:s0+$0x110];
	v4 =	vadd.f32 v4, v13;
	[tilespmem:s30+$0x10160] =	vst v3;
	s30 =	smov.u32 s0  }
0x145: {  	v10 =	vld [tilespmem:s30+$0x10120]  }
0x146: {  	v11 =	vld [tilespmem:s30+$0x120];
	v4 =	vadd.f32 v7, v4  }
0x147: {  	v3 =	vadd.f32 v9, v6;
	v6 =	vld [tilespmem:s30+$0x10130]  }
0x148: {  	v7 =	vld [tilespmem:s30+$0x130];
	[tilespmem:s30+$0x10170] =	vst v4  }
0x149: {  	v5 =	vadd.f32 v5, v8;
	v13 =	vld [tilespmem:s30+$0x10140]  }
0x14a: {  	v14 =	vld [tilespmem:s30+$0x140]  }
0x14b: {  	v4 =	vadd.f32 v11, v10;
	v10 =	vld [tilespmem:s30+$0x10150]  }
.Ltmp1:
0x14c: {  	v11 =	vld [tilespmem:s30+$0x150];
	(pc) =	sbr.rel @p0 .LBB2_4-.Ltmp1, $4  }
0x14d: {  	v6 =	vadd.f32 v7, v6;
	v8 =	vld [tilespmem:s30+$0x10160]  }
0x14e: {  	v9 =	vld [tilespmem:s30+$0x160]  }
0x14f: {  	v12 =	vld [tilespmem:s30+$0x8100];
	v7 =	vadd.f32 v14, v13  }
0x150: {  	v13 =	vld [tilespmem:s30+$0x8110]  }
0x151: {  	v14 =	vld [tilespmem:s30+$0x8120]  }
0x152: {  	v15 =	vld [tilespmem:s30+$0x8130]  }
0x153: {  	v16 =	vld [tilespmem:s30+$0x8140]  }
0x154: {  	v59 =	vld [tilespmem:s30+$0x8150];
	v3 =	vadd.f32 v12, v3  }
0x155: {  	v60 =	vld [tilespmem:s30+$0x8160];
	v5 =	vadd.f32 v13, v5  }
0x156: {  	[tilespmem:s30+$0x10100] =	vst v3;
	v3 =	vadd.f32 v14, v4  }
0x157: {  	v61 =	vadd.f32 v11, v10;
	v62 =	vadd.f32 v15, v6;
	[tilespmem:s30+$0x10110] =	vst v5  }
0x158: {  	v63 =	vadd.f32 v9, v8;
	[tilespmem:s30+$0x10120] =	vst v3;
	v3 =	vadd.f32 v16, v7  }
0x159: {  	v4 =	vadd.f32 v59, v61;
	[tilespmem:s30+$0x10130] =	vst v62  }
0x15a: {  	[tilespmem:s30+$0x10140] =	vst v3;
	v3 =	vadd.f32 v60, v63  }
0x15b: {  	[tilespmem:s30+$0x10150] =	vst v4  }
0x15c: {  	[tilespmem:s30+$0x10160] =	vst v3  }
0x15d: {  	s0 =	rddreg [dreg:$0xa]  }
0x15e: {  	[hbm4b:s0+s1] =	stream.linear.scatter [tilespmem:s25], [sflag:$0x2], $0x8000, $0x38;
	[tilespmem:$0x18100] =	vst v63  }
0x15f: {  	_ =	swait.ge [sflag:s16], $0x8000  }
0x160: {  	s28 =	sadd.s32 $0x1, s28;
	s31 =	rddreg [dreg:$0xb]  }
0x161: {  	p0 =	sne.s32 s28, s31  }
.Ltmp2:
0x162: {  	_ = 	snop;
	(pc) =	sbr.rel @p0 .LBB2_1-.Ltmp2, $3  }
0x163: {  	_ =	sdelay $0x1  }
0x164: {  	[sflag:s16] =	ssyncset.done $0x0  }
0x165: {  	[sflag:s16] =	ssyncadd.s32 $0xFFFF8000  }
0x166: {  	_ =	sfence.sel $0x180000  }
0x167: {  	[bflag:$0x0] =	sbarrier.arrive $0xFFFF  }
0x168: {  	_ =	strace $0x9000004A  }
0x169: {  	s0 =	stileid.u32;
	[bflag:$0x2] =	sbarrier.arrive $0xFFFF  }
0x16a: {  	p0 =	sne.s32 s0, $0x0;
	s0 =	rddreg [dreg:$0x2]  }
0x16b: {  	s0 =	sadd.s32 @!p0 $0x100000, s0  }
0x16c: {  	[sflag:s0] =	ssyncadd.tile.s32 @!p0 $0x1;
	_ =	shalt  }
.Lfunc_end2:
_tile_overlayer_lowered:
.L_overlay_start_2:
0x16d: {  	(tag) =	ssettag $0x2  }
0x16e: {  	s0 =	rddreg [dreg:$0x0];
	s2 =	stileid.u32  }
0x16f: {  	s1 =	rddreg [dreg:$0x1];
	p0 =	sne.s32 s2, $0x0  }
0x170: {  	s3 =	rddreg [dreg:$0x2];
	[bflag:$0x3] =	sbarrier.arrive $0xFFFF;
	s2 =	simm.s32 @!p0 $0x1C02  }
0x171: {  	[timem:s3], [sflag:s2] =	dma.local @!p0 [hbm:s0], s1  }
0x172: {  	s0 =	simm.s32 @!p0 $0x2  }
0x173: {  	_ =	swait.ge @!p0 [sflag:s0], s1  }
0x174: {  	s1 =	ssub.s32 @!p0 $0x0, s1;
	[sflag:s0] =	ssyncset.done @!p0 $0x0  }
0x175: {  	[sflag:s0] =	ssyncadd.s32 @!p0 s1  }
0x176: {  	[bflag:$0x3] =	sbarrier.arrive $0xFFFF  }
0x177: {  	_ =	shalt  }

// kernel: kernel.7.cloned.1.call-start
scs
__scs_entry_jumppad:
0x0: {  	(pc) =	sbr.rel $0x88, $3  }
0x1: {  	(tag) =	ssettag $0x0;
	lr =	simm.s32 $0x1  }
0x2: {  	[smem:$0x3F99] =	sst lr;
	_ =	strace $0xD0000000  }
0x3: {  	_ = 	snop  }
0x4: {  	_ = 	snop  }
0x5: {  	_ = 	snop  }
0x6: {  	_ = 	snop  }
0x7: {  	_ = 	snop  }
__scs_overlays_trampoline_lowered:
0x8: {  	[smem:$0x3FA8] =	sst s0  }
0x9: {  	[smem:$0x3FA9] =	sst s1  }
0xa: {  	[smem:$0x3FAA] =	sst s2  }
0xb: {  	[smem:$0x3FAB] =	sst s3  }
0xc: {  	[smem:$0x3FAC] =	sst s4  }
0xd: {  	[smem:$0x3FAD] =	sst s5  }
0xe: {  	[smem:$0x3FAE] =	sst s6  }
0xf: {  	[smem:$0x3FAF] =	sst s7  }
0x10: {  	[smem:$0x3FB0] =	sst s8  }
0x11: {  	[smem:$0x3FB1] =	sst s9;
	s0 =	simm.s32 @!p0 $0x0  }
0x12: {  	s1 =	sld [smem:$0x3F97];
	s0 =	simm.s32 @p0 $0x1  }
0x13: {  	[smem:$0x3FB2] =	sst s0;
	s0 =	simm.s32 @!p1 $0x0  }
0x14: {  	s2 =	sld [smem:$0x3F96];
	s0 =	simm.s32 @p1 $0x1  }
0x15: {  	[smem:$0x3FB3] =	sst s0;
	s0 =	simm.s32 @!p2 $0x0  }
0x16: {  	s3 =	sld [smem:$0x3FDB];
	s0 =	simm.s32 @p2 $0x1  }
0x17: {  	s4 =	simm.s32 $0x1BF5;
	[smem:$0x3FB5] =	sst s0  }
0x18: {  	s0 =	sld [smem:$0x3F98];
	_ =	swait.ge [sflag:s4], $0x0  }
0x19: {  	s7 =	sld [smem:$0x3F99]  }
0x1a: {  	s8 =	sadd.s32 $0xFFFFE003, lr  }
0x1b: {  	s9 =	sadd.s32 $0xFFFFFEF7, lr;
	s5 =	simm.s32 $0xFFFFFFFF;
	p2 =	slt.u32 s8, $0xFFFFF086  }
0x1c: {  	p1 =	slt.u32 s9, $0xF7A;
	s5 =	simm.s32 @!p2 $0x0  }
0x1d: {  	s5 =	simm.s32 @p1 $0x1;
	p0 =	seq.s32 s7, s2  }
0x1e: {  	s7 =	smul.u32 @!p0 $0xF7A, s2;
	p2 =	seq.s32 @!p0 s5, $0x0  }
0x1f: {  	s9 =	smul.u32 $0xF7A, s1;
	s8 =	simm.s32 @!p0 $0x1BF5;
	p2 =	por !p2, p0  }
0x20: {  	[sflag:s8] =	ssyncset.s32 @!p0 $0xFFFFF086;
	s6 =	sadd.s32 @!p0 s3, s7;
	s7 =	simm.s32 @!p0 $0x108  }
0x21: {  	s3 =	sadd.s32 s3, s9;
	s6 =	sadd.s32 @!p0 $0x88, s6;
	s7 =	simm.s32 @p2 $0x1082  }
0x22: {  	[simem:s7], [sflag:s8] =	dma.local @!p0 [hbm:s6], $0xF7A  }
0x23: {  	s9 =	sor.u32 $0xD0000000, s2;
	s6 =	simm.s32 $0x108;
	_ =	swait.ge @!p0 [sflag:s8], $0x0  }
0x24: {  	s3 =	sadd.s32 $0x88, s3;
	s6 =	simm.s32 @!p1 $0x1082;
	[sflag:s4] =	ssyncset.s32 $0xFFFFF086  }
0x25: {  	[simem:s6], [sflag:s4] =	dma.local [hbm:s3], $0xF7A  }
0x26: {  	[smem:$0x3F99] =	sst s1;
	(tag) =	ssettag s2;
	_ =	strace s9  }
0x27: {  	s1 =	sld [smem:$0x3FA9]  }
0x28: {  	s2 =	sld [smem:$0x3FAA]  }
0x29: {  	s4 =	sld [smem:$0x3FAC]  }
0x2a: {  	p0 =	seq.s32 s5, $0x0;
	s5 =	sld [smem:$0x3FAD]  }
0x2b: {  	s6 =	sld [smem:$0x3FAE]  }
0x2c: {  	s7 =	sld [smem:$0x3FAF]  }
0x2d: {  	s3 =	simm.s32 $0x108;
	s8 =	sld [smem:$0x3FB0]  }
0x2e: {  	s3 =	simm.s32 @!p0 $0x1082;
	s9 =	sld [smem:$0x3FB1]  }
0x2f: {  	lr =	sadd.s32 s0, s3;
	s0 =	sld [smem:$0x3FA8]  }
0x30: {  	s3 =	sld [smem:$0x3FAB]  }
0x31: {  	[smem:$0x3FB4] =	sst s10  }
0x32: {  	s10 =	sld [smem:$0x3FB2];
	_ =	sdelay $0x3  }
0x33: {  	p0 =	seq.s32 s10, $0x1;
	s10 =	sld [smem:$0x3FB4];
	_ =	sdelay $0x3  }
0x34: {  	[smem:$0x3FB4] =	sst s10  }
0x35: {  	s10 =	sld [smem:$0x3FB3];
	_ =	sdelay $0x3  }
0x36: {  	p1 =	seq.s32 s10, $0x1;
	s10 =	sld [smem:$0x3FB4];
	_ =	sdelay $0x3  }
0x37: {  	[smem:$0x3FB4] =	sst s10  }
0x38: {  	s10 =	sld [smem:$0x3FB5]  }
0x39: {  	_ = 	snop;
	(pc) =	sbr.ind lr, $3  }
0x3a: {  	_ = 	snop  }
0x3b: {  	_ = 	snop  }
0x3c: {  	p2 =	seq.s32 s10, $0x1;
	s10 =	sld [smem:$0x3FB4]  }
0x3d: {  	_ =	shalt  }
0x3e: {  	_ =	shalt  }
0x3f: {  	_ =	shalt  }
0x40: {  	_ =	shalt  }
0x41: {  	_ =	shalt  }
0x42: {  	_ =	shalt  }
0x43: {  	_ =	shalt  }
0x44: {  	_ =	shalt  }
0x45: {  	_ =	shalt  }
0x46: {  	_ =	shalt  }
0x47: {  	_ =	shalt  }
0x48: {  	_ =	shalt  }
0x49: {  	_ =	shalt  }
0x4a: {  	_ =	shalt  }
0x4b: {  	_ =	shalt  }
0x4c: {  	_ =	shalt  }
0x4d: {  	_ =	shalt  }
0x4e: {  	_ =	shalt  }
0x4f: {  	_ =	shalt  }
0x50: {  	_ =	shalt  }
0x51: {  	_ =	shalt  }
0x52: {  	_ =	shalt  }
0x53: {  	_ =	shalt  }
0x54: {  	_ =	shalt  }
0x55: {  	_ =	shalt  }
0x56: {  	_ =	shalt  }
0x57: {  	_ =	shalt  }
0x58: {  	_ =	shalt  }
0x59: {  	_ =	shalt  }
0x5a: {  	_ =	shalt  }
0x5b: {  	_ =	shalt  }
0x5c: {  	_ =	shalt  }
0x5d: {  	_ =	shalt  }
0x5e: {  	_ =	shalt  }
0x5f: {  	_ =	shalt  }
0x60: {  	_ =	shalt  }
0x61: {  	_ =	shalt  }
0x62: {  	_ =	shalt  }
0x63: {  	_ =	shalt  }
0x64: {  	_ =	shalt  }
0x65: {  	_ =	shalt  }
0x66: {  	_ =	shalt  }
0x67: {  	_ =	shalt  }
0x68: {  	_ =	shalt  }
0x69: {  	_ =	shalt  }
0x6a: {  	_ =	shalt  }
0x6b: {  	_ =	shalt  }
0x6c: {  	_ =	shalt  }
0x6d: {  	_ =	shalt  }
0x6e: {  	_ =	shalt  }
0x6f: {  	_ =	shalt  }
0x70: {  	_ =	shalt  }
0x71: {  	_ =	shalt  }
0x72: {  	_ =	shalt  }
0x73: {  	_ =	shalt  }
0x74: {  	_ =	shalt  }
0x75: {  	_ =	shalt  }
0x76: {  	_ =	shalt  }
0x77: {  	_ =	shalt  }
0x78: {  	_ =	shalt  }
0x79: {  	_ =	shalt  }
0x7a: {  	_ =	shalt  }
0x7b: {  	_ =	shalt  }
0x7c: {  	_ =	shalt  }
0x7d: {  	_ =	shalt  }
0x7e: {  	_ =	shalt  }
0x7f: {  	_ =	shalt  }
0x80: {  	_ =	shalt  }
0x81: {  	_ =	shalt  }
0x82: {  	_ =	shalt  }
0x83: {  	_ =	shalt  }
0x84: {  	_ =	shalt  }
0x85: {  	_ =	shalt  }
0x86: {  	_ =	shalt  }
0x87: {  	_ =	shalt  }
.Lfunc_end0:
.L_simem_size_0:
called_computation_lowered:
.L_overlay_start_0:
0x88: {  	s2 =	sld [smem:$0x3FD9]  }
0x89: {  	s3 =	sld [smem:$0x3FFE];
	_ =	sdelay $0x1  }
0x8a: {  	s1 =	srdreg.scid  }
0x8b: {  	s0 =	sand.u32 $0x1, s1  }
0x8c: {  	s17 =	sshll.u32 s0, $0xA;
	s2 =	sadd.s32 s3, s2  }
0x8d: {  	s2 =	sadd.s32 s2, s17  }
0x8e: {  	[smem:$0x3FC0] =	sst s2  }
0x8f: {  	_ = 	snop  }
0x90: {  	s2 =	sld [smem:$0x3FC9];
	(tm) =	ssettm $0x1  }
0x91: {  	s18 =	sld [smem:$0x3FFB];
	_ =	sdelay $0x3  }
0x92: {  	_ =	strace s18  }
0x93: {  	s3 =	sld [smem:$0x3FFC];
	_ =	sdelay $0x3  }
0x94: {  	_ =	strace s3  }
0x95: {  	s3 =	sld [smem:$0x3FFD];
	_ =	sdelay $0x3  }
0x96: {  	_ =	strace s3  }
0x97: {  	_ =	strace $0x8FFFFFFF  }
0x98: {  	s19 =	sld [smem:$0x3FDB];
	_ =	sdelay $0x1  }
0x99: {  	s4 =	simm.s32 $_scs_section_size  }
0x9a: {  	s5 =	simm.s32 $_size__tile_overlayer_lowered;
	s6 =	simm.s32 $_tile_overlayer_lowered  }
0x9b: {  	s22 =	simm.s32 $0x1BFF;
	s21 =	sshll.u32 s6, $0x1;
	s3 =	sadd.s32 s4, s19  }
0x9c: {  	s7 =	simm.s32 $0x0;
	s20 =	sshll.u32 s5, $0x1;
	s5 =	sadd.s32 s21, s3  }
0x9d: {  	[timem:s7], [sflag:s22] =	dma.local [hbm:s5], s20  }
0x9e: {  	_ =	swait.ge [sflag:s22], s20  }
0x9f: {  	s4 =	ssub.s32 $0x0, s20;
	[sflag:s22] =	ssyncset.done $0x0  }
0xa0: {  	[sflag:s22] =	ssyncadd.s32 s4;
	_ =	sdelay $0x1  }
0xa1: {  	s23 =	simm.s32 $0x1B8B  }
0xa2: {  	_ =	swait.ge [sflag:s23], $0x1  }
0xa3: {  	[sflag:s23] =	ssyncset.done $0x0  }
0xa4: {  	s25 =	simm.s32 $0x1B8E;
	s24 =	sld [smem:$0x3FFE];
	[sflag:s23] =	ssyncadd.s32 $0xFFFFFFFF  }
0xa5: {  	s26 =	simm.s32 $execute0_lowered;
	[smem:$0x3FD2] =	sst s25  }
0xa6: {  	s5 =	sshll.u32 s26, $0x1;
	_ =	strace $0x80000046;
	[dreg:$0x1] =	wrdreg $0xFFFFFFFF  }
0xa7: {  	s28 =	simm.s32 $_size_execute0_lowered;
	s3 =	sadd.s32 s3, s5;
	[dreg:$0x0] =	wrdreg $0x0  }
0xa8: {  	s5 =	sshll.u32 s28, $0x1;
	[dreg:$0x2] =	wrdreg s3  }
0xa9: {  	[dreg:$0x3] =	wrdreg s5  }
0xaa: {  	[dreg:$0x4] =	wrdreg $0xC0  }
0xab: {  	_ =	task [dreg:s7], $0x5FFFF  }
0xac: {  	[dreg:$0x1] =	wrdreg $0xFFFFFFFF  }
0xad: {  	[dreg:$0x0] =	wrdreg $0x60  }
0xae: {  	[dreg:$0x2] =	wrdreg s2  }
0xaf: {  	[dreg:$0x3] =	wrdreg s24  }
0xb0: {  	[dreg:$0x4] =	wrdreg $0x9  }
0xb1: {  	_ =	task.clear_ibuf [dreg:s7], $0x5FFFF;
	_ =	strace $0x90000046  }
0xb2: {  	s29 =	simm.s32 $0x9;
	_ =	strace $0x80000048  }
0xb3: {  	_ =	swait.ge [sflag:s29], $0x1  }
0xb4: {  	[sflag:s29] =	ssyncadd.s32 $0xFFFFFFFF  }
0xb5: {  	_ =	strace $0x90000048  }
0xb6: {  	_ =	sfence  }
0xb7: {  	s30 =	sld [smem:$0x0];
	_ =	sdelay $0x2  }
0xb8: {  	s31 =	sshll.u32 s1, $0xD;
	s1 =	sshrl.u32 s1, $0x2  }
0xb9: {  	s3 =	sand.u32 $0x4000, s31;
	s1 =	sadd.s32 s1, s30  }
0xba: {  	s0 =	sor.u32 s3, s0;
	s1 =	sshll.u32 s1, $0x11  }
0xbb: {  	s0 =	sor.u32 s1, s0  }
0xbc: {  	s0 =	sadd.s32 $0x8F2B, s0  }
0xbd: {  	[sflag:s0] =	ssyncadd.remote.s32 $0x1  }
0xbe: {  	_ =	sfence.sel $0xFFFF  }
0xbf: {  	[dreg:$0x0] =	wrdreg $0xFFFFFFFF;
	(pc) =	sbr.abs _section_cstart, $3  }
0xc0: {  	[dreg:$0x1] =	wrdreg $0xFFFFFFFF  }
0xc1: {  	_ =	task.clear_ibuf [dreg:s7], $0x2FFFF;
	_ =	strace $0x9FFFFFFF  }
0xc2: {  	(tm) =	ssettm $0x7FFFFFFF  }
0xc3: {  	_ =	shalt  }
tec
execute0_lowered:
.L_overlay_start_1:
0x0: {  	(tag) =	ssettag $0x1  }
0x1: {  	s0 =	srdreg.scid;
	s1 =	rddreg [dreg:$0x0]  }
0x2: {  	s2 =	stileid.u32;
	s7 =	rddreg [dreg:$0x1]  }
0x3: {  	s13 =	simm.s32 $0x1;
	s29 =	simm.s32 $0x1100;
	s30 =	simm.s32 $0x1900  }
0x4: {  	s31 =	simm.s32 $0x2100;
	s11 =	simm.s32 $0x4100;
	s12 =	simm.s32 $0x4900  }
0x5: {  	s14 =	simm.s32 $0x5100;
	s15 =	simm.s32 $0x5900;
	s16 =	simm.s32 $0x6100  }
0x6: {  	s17 =	simm.s32 $0x6900;
	s18 =	simm.s32 $0x7100;
	s19 =	simm.s32 $0x7900  }
0x7: {  	s20 =	simm.s32 $0x8100;
	s21 =	simm.s32 $0x8900;
	s22 =	simm.s32 $0x9100  }
0x8: {  	s10 =	simm.s32 $0xA100;
	s28 =	simm.s32 $0xB900;
	s0 =	sand.u32 $0x1, s0  }
0x9: {  	s3 =	sshll.u32 s2, $0x7;
	s2 =	simm.s32 $0x0;
	s23 =	sadd.s32 $0x12E00, s7  }
0xa: {  	s4 =	sshll.u32 s0, $0x6;
	[smem:$0x7FF] =	sst s2;
	s0 =	ssub.s32 $0x2, s0  }
0xb: {  	s5 =	sor.u32 s4, s3;
	_ =	strace $0x80000047;
	[dreg:$0x8] =	wrdreg s23  }
0xc: {  	s3 =	sshrl.u32 s5, $0x3;
	s4 =	sshll.u32 s5, $0x4;
	s5 =	sshll.u32 s5, $0x7  }
0xd: {  	s24 =	sshrl.u32 s0, $0x1;
	s6 =	sadd.s32 s3, s7;
	s1 =	sadd.s32 s1, s5  }
0xe: {  	s23 =	simm.s32 $0x9900;
	s9 =	sadd.s32 $0x12A00, s6;
	[dreg:$0x5] =	wrdreg s1  }
0xf: {  	s8 =	sadd.s32 s4, s7;
	s6 =	sadd.s32 $0x12C00, s6;
	[dreg:$0x3] =	wrdreg s9  }
0x10: {  	s0 =	ssub.s32 s0, s24;
	s25 =	sadd.s32 $0x2A00, s8;
	[dreg:$0x4] =	wrdreg s6  }
0x11: {  	v2 =	vlaneseq.u32;
	s3 =	sadd.s32 $0x2AE00, s7;
	s26 =	sadd.s32 $0xAA00, s8;
	[dreg:$0x6] =	wrdreg s25  }
0x12: {  	vm0 =	vmmov $0xffff;
	v1 =	vshrl.u32 v2, $0x3;
	s5 =	sadd.s32 $0x2AF00, s7;
	s8 =	smax.u32 s0, $0x1;
	[dreg:$0x7] =	wrdreg s26  }
0x13: {  	v0 =	vand.u32 $0x7, v2;
	v2 =	vor.u32 $0x8, v2;
	v1 =	vmul.u32 $0x8, v1;
	s6 =	sadd.s32 $0x2B000, s7;
	s7 =	sadd.s32 $0x2B100, s7;
	s26 =	simm.s32 $0xB100  }
.LBB2_1:
0x14: {  	s24 =	rddreg [dreg:$0x3]  }
0x15: {  	[tilespmem:s2], [sflag:$0x1] =	stream.linear.gather [hbm4b:s24+s2], $0x40, $0x38;
	[tilespmem:$0x14100] =	vst v63  }
0x16: {  	s25 =	rddreg [dreg:$0x4];
	s0 =	simm.s32 $0x80  }
0x17: {  	[tilespmem:s0], [sflag:$0x1] =	stream.linear.gather [hbm4b:s25+s2], $0x40, $0x38;
	[tilespmem:$0x14100] =	vst v63  }
0x18: {  	s9 =	rddreg [dreg:$0x5];
	s4 =	simm.s32 $0x100  }
0x19: {  	[tilespmem:s4], [sflag:$0x1] =	stream.linear.gather [hbm4b:s9+s2], $0x10000, $0x38;
	[tilespmem:$0x14100] =	vst v63  }
0x1a: {  	s1 =	simm.s32 $0x10100;
	s0 =	rddreg [dreg:$0x6]  }
0x1b: {  	[tilespmem:s1], [sflag:$0x1] =	stream.linear.gather [hbm4b:s0+s2], $0x2000, $0x38;
	[tilespmem:$0x14100] =	vst v63  }
0x1c: {  	s24 =	rddreg [dreg:$0x7];
	s9 =	simm.s32 $0x12100  }
0x1d: {  	[tilespmem:s9], [sflag:$0x1] =	stream.linear.gather [hbm4b:s24+s2], $0x2000, $0x38;
	[tilespmem:$0x14100] =	vst v63  }
0x1e: {  	_ =	swait.ge [sflag:s13], $0x40  }
0x1f: {  	[sflag:s13] =	ssyncset.done $0x0  }
0x20: {  	[sflag:s13] =	ssyncadd.s32 $0xFFFFFFC0  }
0x21: {  	_ =	swait.ge [sflag:s13], $0x40  }
0x22: {  	[sflag:s13] =	ssyncset.done $0x0  }
0x23: {  	[sflag:s13] =	ssyncadd.s32 $0xFFFFFFC0  }
0x24: {  	_ =	swait.ge [sflag:s13], $0x10000  }
0x25: {  	[sflag:s13] =	ssyncset.done $0x0  }
0x26: {  	[sflag:s13] =	ssyncadd.s32 $0xFFFF0000  }
0x27: {  	_ =	swait.ge [sflag:s13], $0x2000  }
0x28: {  	[sflag:s13] =	ssyncset.done $0x0  }
0x29: {  	[sflag:s13] =	ssyncadd.s32 $0xFFFFE000  }
0x2a: {  	_ =	swait.ge [sflag:s13], $0x2000  }
0x2b: {  	[sflag:s13] =	ssyncset.done $0x0  }
0x2c: {  	[sflag:s13] =	ssyncadd.s32 $0xFFFFE000  }
0x2d: {  	v3 =	vld [tilespmem:$0x0];
	_ =	sdelay $0x4  }
0x2e: {  	v4 =	vshll.u32 v3, $0x3  }
0x2f: {  	v3 =	vand.u32 $0x7, v3;
	v4 =	vand.u32 $0xFFFFFFC0, v4  }
0x30: {  	v3 =	vor.u32 v3, v4  }
0x31: {  	v4 =	vperm.xlane v3, v0;
	_ =	sdelay $0x1  }
0x32: {  	v4 =	vadd.s32 v1, v4;
	_ =	sdelay $0x4  }
0x33: {  	[hbm4b:s3+s2] =	stream.indirect_vreg.scatter [tilespmem:s4], [sflag:$0x1], $0x80, v4, vm0, $0xb8;
	[tilespmem:$0x14100] =	vst v63  }
0x34: {  	s24 =	simm.s32 $0x900;
	v3 =	vperm.xlane v3, v2  }
0x35: {  	[hbm4b:s5+s2] =	stream.indirect_vreg.scatter [tilespmem:s24], [sflag:$0x1], $0x80, v4, vm0, $0xb8;
	[tilespmem:$0x14100] =	vst v63  }
0x36: {  	v3 =	vadd.s32 v1, v3  }
0x37: {  	[hbm4b:s6+s2] =	stream.indirect_vreg.scatter [tilespmem:s29], [sflag:$0x1], $0x80, v4, vm0, $0xb8;
	[tilespmem:$0x14100] =	vst v63  }
0x38: {  	_ = 	snop  }
0x39: {  	[hbm4b:s7+s2] =	stream.indirect_vreg.scatter [tilespmem:s30], [sflag:$0x1], $0x80, v4, vm0, $0xb8;
	[tilespmem:$0x14100] =	vst v63  }
0x3a: {  	_ = 	snop  }
0x3b: {  	[hbm4b:s3+s2] =	stream.indirect_vreg.scatter [tilespmem:s31], [sflag:$0x1], $0x80, v3, vm0, $0xb8;
	[tilespmem:$0x14100] =	vst v63  }
0x3c: {  	s1 =	simm.s32 $0x2900  }
0x3d: {  	[hbm4b:s5+s2] =	stream.indirect_vreg.scatter [tilespmem:s1], [sflag:$0x1], $0x80, v3, vm0, $0xb8;
	[tilespmem:$0x14100] =	vst v63  }
0x3e: {  	s25 =	simm.s32 $0x3100  }
0x3f: {  	[hbm4b:s6+s2] =	stream.indirect_vreg.scatter [tilespmem:s25], [sflag:$0x1], $0x80, v3, vm0, $0xb8;
	[tilespmem:$0x14100] =	vst v63  }
0x40: {  	s9 =	simm.s32 $0x3900  }
0x41: {  	[hbm4b:s7+s2] =	stream.indirect_vreg.scatter [tilespmem:s9], [sflag:$0x1], $0x80, v3, vm0, $0xb8;
	[tilespmem:$0x14100] =	vst v63  }
0x42: {  	v3 =	vld [tilespmem:$0x10];
	_ =	sdelay $0x4  }
0x43: {  	v57 =	vshll.u32 v3, $0x3  }
0x44: {  	v3 =	vand.u32 $0x7, v3;
	v4 =	vand.u32 $0xFFFFFFC0, v57  }
0x45: {  	v3 =	vor.u32 v3, v4  }
0x46: {  	v4 =	vperm.xlane v3, v0;
	_ =	sdelay $0x1  }
0x47: {  	v4 =	vadd.s32 v1, v4;
	_ =	sdelay $0x4  }
0x48: {  	[hbm4b:s3+s2] =	stream.indirect_vreg.scatter [tilespmem:s11], [sflag:$0x1], $0x80, v4, vm0, $0xb8;
	[tilespmem:$0x14100] =	vst v63  }
0x49: {  	v3 =	vperm.xlane v3, v2  }
0x4a: {  	[hbm4b:s5+s2] =	stream.indirect_vreg.scatter [tilespmem:s12], [sflag:$0x1], $0x80, v4, vm0, $0xb8;
	[tilespmem:$0x14100] =	vst v63  }
0x4b: {  	v3 =	vadd.s32 v1, v3  }
0x4c: {  	[hbm4b:s6+s2] =	stream.indirect_vreg.scatter [tilespmem:s14], [sflag:$0x1], $0x80, v4, vm0, $0xb8;
	[tilespmem:$0x14100] =	vst v63  }
0x4d: {  	_ = 	snop  }
0x4e: {  	[hbm4b:s7+s2] =	stream.indirect_vreg.scatter [tilespmem:s15], [sflag:$0x1], $0x80, v4, vm0, $0xb8;
	[tilespmem:$0x14100] =	vst v63  }
0x4f: {  	_ = 	snop  }
0x50: {  	[hbm4b:s3+s2] =	stream.indirect_vreg.scatter [tilespmem:s16], [sflag:$0x1], $0x80, v3, vm0, $0xb8;
	[tilespmem:$0x14100] =	vst v63  }
0x51: {  	_ = 	snop  }
0x52: {  	[hbm4b:s5+s2] =	stream.indirect_vreg.scatter [tilespmem:s17], [sflag:$0x1], $0x80, v3, vm0, $0xb8;
	[tilespmem:$0x14100] =	vst v63  }
0x53: {  	_ = 	snop  }
0x54: {  	[hbm4b:s6+s2] =	stream.indirect_vreg.scatter [tilespmem:s18], [sflag:$0x1], $0x80, v3, vm0, $0xb8;
	[tilespmem:$0x14100] =	vst v63  }
0x55: {  	_ = 	snop  }
0x56: {  	[hbm4b:s7+s2] =	stream.indirect_vreg.scatter [tilespmem:s19], [sflag:$0x1], $0x80, v3, vm0, $0xb8;
	[tilespmem:$0x14100] =	vst v63  }
0x57: {  	v3 =	vld [tilespmem:$0x20];
	_ =	sdelay $0x4  }
0x58: {  	v58 =	vshll.u32 v3, $0x3  }
0x59: {  	v3 =	vand.u32 $0x7, v3;
	v4 =	vand.u32 $0xFFFFFFC0, v58  }
0x5a: {  	v3 =	vor.u32 v3, v4  }
0x5b: {  	v4 =	vperm.xlane v3, v0;
	_ =	sdelay $0x1  }
0x5c: {  	v4 =	vadd.s32 v1, v4;
	_ =	sdelay $0x4  }
0x5d: {  	[hbm4b:s3+s2] =	stream.indirect_vreg.scatter [tilespmem:s20], [sflag:$0x1], $0x80, v4, vm0, $0xb8;
	[tilespmem:$0x14100] =	vst v63  }
0x5e: {  	v3 =	vperm.xlane v3, v2  }
0x5f: {  	[hbm4b:s5+s2] =	stream.indirect_vreg.scatter [tilespmem:s21], [sflag:$0x1], $0x80, v4, vm0, $0xb8;
	[tilespmem:$0x14100] =	vst v63  }
0x60: {  	v3 =	vadd.s32 v1, v3  }
0x61: {  	[hbm4b:s6+s2] =	stream.indirect_vreg.scatter [tilespmem:s22], [sflag:$0x1], $0x80, v4, vm0, $0xb8;
	[tilespmem:$0x14100] =	vst v63  }
0x62: {  	_ = 	snop  }
0x63: {  	[hbm4b:s7+s2] =	stream.indirect_vreg.scatter [tilespmem:s23], [sflag:$0x1], $0x80, v4, vm0, $0xb8;
	[tilespmem:$0x14100] =	vst v63  }
0x64: {  	_ = 	snop  }
0x65: {  	[hbm4b:s3+s2] =	stream.indirect_vreg.scatter [tilespmem:s10], [sflag:$0x1], $0x80, v3, vm0, $0xb8;
	[tilespmem:$0x14100] =	vst v63  }
0x66: {  	s25 =	simm.s32 $0xA900  }
0x67: {  	[hbm4b:s5+s2] =	stream.indirect_vreg.scatter [tilespmem:s25], [sflag:$0x1], $0x80, v3, vm0, $0xb8;
	[tilespmem:$0x14100] =	vst v63  }
0x68: {  	_ = 	snop  }
0x69: {  	[hbm4b:s6+s2] =	stream.indirect_vreg.scatter [tilespmem:s26], [sflag:$0x1], $0x80, v3, vm0, $0xb8;
	[tilespmem:$0x14100] =	vst v63  }
0x6a: {  	_ = 	snop  }
0x6b: {  	[hbm4b:s7+s2] =	stream.indirect_vreg.scatter [tilespmem:s28], [sflag:$0x1], $0x80, v3, vm0, $0xb8;
	[tilespmem:$0x14100] =	vst v63  }
0x6c: {  	v3 =	vld [tilespmem:$0x30];
	_ =	sdelay $0x4  }
0x6d: {  	v59 =	vshll.u32 v3, $0x3  }
0x6e: {  	v3 =	vand.u32 $0x7, v3;
	v4 =	vand.u32 $0xFFFFFFC0, v59  }
0x6f: {  	v3 =	vor.u32 v3, v4  }
0x70: {  	v4 =	vperm.xlane v3, v0;
	_ =	sdelay $0x1  }
0x71: {  	v4 =	vadd.s32 v1, v4;
	_ =	sdelay $0x3  }
0x72: {  	s0 =	simm.s32 $0xC100  }
0x73: {  	[hbm4b:s3+s2] =	stream.indirect_vreg.scatter [tilespmem:s0], [sflag:$0x1], $0x80, v4, vm0, $0xb8;
	[tilespmem:$0x14100] =	vst v63  }
0x74: {  	v3 =	vperm.xlane v3, v2;
	s0 =	simm.s32 $0xC900  }
0x75: {  	[hbm4b:s5+s2] =	stream.indirect_vreg.scatter [tilespmem:s0], [sflag:$0x1], $0x80, v4, vm0, $0xb8;
	[tilespmem:$0x14100] =	vst v63  }
0x76: {  	v3 =	vadd.s32 v1, v3;
	s0 =	simm.s32 $0xD100  }
0x77: {  	[hbm4b:s6+s2] =	stream.indirect_vreg.scatter [tilespmem:s0], [sflag:$0x1], $0x80, v4, vm0, $0xb8;
	[tilespmem:$0x14100] =	vst v63  }
0x78: {  	s0 =	simm.s32 $0xD900  }
0x79: {  	[hbm4b:s7+s2] =	stream.indirect_vreg.scatter [tilespmem:s0], [sflag:$0x1], $0x80, v4, vm0, $0xb8;
	[tilespmem:$0x14100] =	vst v63  }
0x7a: {  	s0 =	simm.s32 $0xE100  }
0x7b: {  	[hbm4b:s3+s2] =	stream.indirect_vreg.scatter [tilespmem:s0], [sflag:$0x1], $0x80, v3, vm0, $0xb8;
	[tilespmem:$0x14100] =	vst v63  }
0x7c: {  	s0 =	simm.s32 $0xE900  }
0x7d: {  	[hbm4b:s5+s2] =	stream.indirect_vreg.scatter [tilespmem:s0], [sflag:$0x1], $0x80, v3, vm0, $0xb8;
	[tilespmem:$0x14100] =	vst v63  }
0x7e: {  	s0 =	simm.s32 $0xF100  }
0x7f: {  	[hbm4b:s6+s2] =	stream.indirect_vreg.scatter [tilespmem:s0], [sflag:$0x1], $0x80, v3, vm0, $0xb8;
	[tilespmem:$0x14100] =	vst v63  }
0x80: {  	s0 =	simm.s32 $0xF900  }
0x81: {  	[hbm4b:s7+s2] =	stream.indirect_vreg.scatter [tilespmem:s0], [sflag:$0x1], $0x80, v3, vm0, $0xb8;
	[tilespmem:$0x14100] =	vst v63  }
0x82: {  	v3 =	vld [tilespmem:$0x80];
	_ =	sdelay $0x4  }
0x83: {  	v60 =	vshll.u32 v3, $0x3  }
0x84: {  	v3 =	vand.u32 $0x7, v3;
	v4 =	vand.u32 $0xFFFFFFC0, v60  }
0x85: {  	v3 =	vor.u32 v3, v4  }
0x86: {  	v4 =	vperm.xlane v3, v0;
	_ =	sdelay $0x1  }
0x87: {  	v4 =	vadd.s32 v1, v4;
	_ =	sdelay $0x4  }
0x88: {  	[hbm4b:s3+s2] =	stream.indirect_vreg.scatter [tilespmem:s4], [sflag:$0x1], $0x80, v4, vm0, $0xb8;
	[tilespmem:$0x14100] =	vst v63  }
0x89: {  	v3 =	vperm.xlane v3, v2  }
0x8a: {  	[hbm4b:s5+s2] =	stream.indirect_vreg.scatter [tilespmem:s24], [sflag:$0x1], $0x80, v4, vm0, $0xb8;
	[tilespmem:$0x14100] =	vst v63  }
0x8b: {  	v3 =	vadd.s32 v1, v3  }
0x8c: {  	[hbm4b:s6+s2] =	stream.indirect_vreg.scatter [tilespmem:s29], [sflag:$0x1], $0x80, v4, vm0, $0xb8;
	[tilespmem:$0x14100] =	vst v63  }
0x8d: {  	_ = 	snop  }
0x8e: {  	[hbm4b:s7+s2] =	stream.indirect_vreg.scatter [tilespmem:s30], [sflag:$0x1], $0x80, v4, vm0, $0xb8;
	[tilespmem:$0x14100] =	vst v63  }
0x8f: {  	_ = 	snop  }
0x90: {  	[hbm4b:s3+s2] =	stream.indirect_vreg.scatter [tilespmem:s31], [sflag:$0x1], $0x80, v3, vm0, $0xb8;
	[tilespmem:$0x14100] =	vst v63  }
0x91: {  	_ = 	snop  }
0x92: {  	[hbm4b:s5+s2] =	stream.indirect_vreg.scatter [tilespmem:s1], [sflag:$0x1], $0x80, v3, vm0, $0xb8;
	[tilespmem:$0x14100] =	vst v63  }
0x93: {  	s4 =	simm.s32 $0x3100  }
0x94: {  	[hbm4b:s6+s2] =	stream.indirect_vreg.scatter [tilespmem:s4], [sflag:$0x1], $0x80, v3, vm0, $0xb8;
	[tilespmem:$0x14100] =	vst v63  }
0x95: {  	_ = 	snop  }
0x96: {  	[hbm4b:s7+s2] =	stream.indirect_vreg.scatter [tilespmem:s9], [sflag:$0x1], $0x80, v3, vm0, $0xb8;
	[tilespmem:$0x14100] =	vst v63  }
0x97: {  	v3 =	vld [tilespmem:$0x90];
	_ =	sdelay $0x4  }
0x98: {  	v61 =	vshll.u32 v3, $0x3  }
0x99: {  	v3 =	vand.u32 $0x7, v3;
	v4 =	vand.u32 $0xFFFFFFC0, v61  }
0x9a: {  	v3 =	vor.u32 v3, v4  }
0x9b: {  	v4 =	vperm.xlane v3, v0;
	_ =	sdelay $0x1  }
0x9c: {  	v4 =	vadd.s32 v1, v4;
	_ =	sdelay $0x4  }
0x9d: {  	[hbm4b:s3+s2] =	stream.indirect_vreg.scatter [tilespmem:s11], [sflag:$0x1], $0x80, v4, vm0, $0xb8;
	[tilespmem:$0x14100] =	vst v63  }
0x9e: {  	v3 =	vperm.xlane v3, v2  }
0x9f: {  	[hbm4b:s5+s2] =	stream.indirect_vreg.scatter [tilespmem:s12], [sflag:$0x1], $0x80, v4, vm0, $0xb8;
	[tilespmem:$0x14100] =	vst v63  }
0xa0: {  	v3 =	vadd.s32 v1, v3  }
0xa1: {  	[hbm4b:s6+s2] =	stream.indirect_vreg.scatter [tilespmem:s14], [sflag:$0x1], $0x80, v4, vm0, $0xb8;
	[tilespmem:$0x14100] =	vst v63  }
0xa2: {  	_ = 	snop  }
0xa3: {  	[hbm4b:s7+s2] =	stream.indirect_vreg.scatter [tilespmem:s15], [sflag:$0x1], $0x80, v4, vm0, $0xb8;
	[tilespmem:$0x14100] =	vst v63  }
0xa4: {  	_ = 	snop  }
0xa5: {  	[hbm4b:s3+s2] =	stream.indirect_vreg.scatter [tilespmem:s16], [sflag:$0x1], $0x80, v3, vm0, $0xb8;
	[tilespmem:$0x14100] =	vst v63  }
0xa6: {  	_ = 	snop  }
0xa7: {  	[hbm4b:s5+s2] =	stream.indirect_vreg.scatter [tilespmem:s17], [sflag:$0x1], $0x80, v3, vm0, $0xb8;
	[tilespmem:$0x14100] =	vst v63  }
0xa8: {  	_ = 	snop  }
0xa9: {  	[hbm4b:s6+s2] =	stream.indirect_vreg.scatter [tilespmem:s18], [sflag:$0x1], $0x80, v3, vm0, $0xb8;
	[tilespmem:$0x14100] =	vst v63  }
0xaa: {  	_ = 	snop  }
0xab: {  	[hbm4b:s7+s2] =	stream.indirect_vreg.scatter [tilespmem:s19], [sflag:$0x1], $0x80, v3, vm0, $0xb8;
	[tilespmem:$0x14100] =	vst v63  }
0xac: {  	v3 =	vld [tilespmem:$0xA0];
	_ =	sdelay $0x4  }
0xad: {  	v62 =	vshll.u32 v3, $0x3  }
0xae: {  	v3 =	vand.u32 $0x7, v3;
	v4 =	vand.u32 $0xFFFFFFC0, v62  }
0xaf: {  	v3 =	vor.u32 v3, v4  }
0xb0: {  	v4 =	vperm.xlane v3, v0;
	_ =	sdelay $0x1  }
0xb1: {  	v4 =	vadd.s32 v1, v4;
	_ =	sdelay $0x4  }
0xb2: {  	[hbm4b:s3+s2] =	stream.indirect_vreg.scatter [tilespmem:s20], [sflag:$0x1], $0x80, v4, vm0, $0xb8;
	[tilespmem:$0x14100] =	vst v63  }
0xb3: {  	v3 =	vperm.xlane v3, v2  }
0xb4: {  	[hbm4b:s5+s2] =	stream.indirect_vreg.scatter [tilespmem:s21], [sflag:$0x1], $0x80, v4, vm0, $0xb8;
	[tilespmem:$0x14100] =	vst v63  }
0xb5: {  	v3 =	vadd.s32 v1, v3  }
0xb6: {  	[hbm4b:s6+s2] =	stream.indirect_vreg.scatter [tilespmem:s22], [sflag:$0x1], $0x80, v4, vm0, $0xb8;
	[tilespmem:$0x14100] =	vst v63  }
0xb7: {  	_ = 	snop  }
0xb8: {  	[hbm4b:s7+s2] =	stream.indirect_vreg.scatter [tilespmem:s23], [sflag:$0x1], $0x80, v4, vm0, $0xb8;
	[tilespmem:$0x14100] =	vst v63  }
0xb9: {  	_ = 	snop  }
0xba: {  	[hbm4b:s3+s2] =	stream.indirect_vreg.scatter [tilespmem:s10], [sflag:$0x1], $0x80, v3, vm0, $0xb8;
	[tilespmem:$0x14100] =	vst v63  }
0xbb: {  	_ = 	snop  }
0xbc: {  	[hbm4b:s5+s2] =	stream.indirect_vreg.scatter [tilespmem:s25], [sflag:$0x1], $0x80, v3, vm0, $0xb8;
	[tilespmem:$0x14100] =	vst v63  }
0xbd: {  	_ = 	snop  }
0xbe: {  	[hbm4b:s6+s2] =	stream.indirect_vreg.scatter [tilespmem:s26], [sflag:$0x1], $0x80, v3, vm0, $0xb8;
	[tilespmem:$0x14100] =	vst v63  }
0xbf: {  	_ = 	snop  }
0xc0: {  	[hbm4b:s7+s2] =	stream.indirect_vreg.scatter [tilespmem:s28], [sflag:$0x1], $0x80, v3, vm0, $0xb8;
	[tilespmem:$0x14100] =	vst v63  }
0xc1: {  	v3 =	vld [tilespmem:$0xB0];
	_ =	sdelay $0x4  }
0xc2: {  	v63 =	vshll.u32 v3, $0x3  }
0xc3: {  	v3 =	vand.u32 $0x7, v3;
	v4 =	vand.u32 $0xFFFFFFC0, v63  }
0xc4: {  	v3 =	vor.u32 v3, v4  }
0xc5: {  	v4 =	vperm.xlane v3, v0;
	_ =	sdelay $0x1  }
0xc6: {  	v4 =	vadd.s32 v1, v4;
	_ =	sdelay $0x3  }
0xc7: {  	s24 =	simm.s32 $0xC100  }
0xc8: {  	[hbm4b:s3+s2] =	stream.indirect_vreg.scatter [tilespmem:s24], [sflag:$0x1], $0x80, v4, vm0, $0xb8;
	[tilespmem:$0x14100] =	vst v63  }
0xc9: {  	s25 =	simm.s32 $0xC900;
	v3 =	vperm.xlane v3, v2  }
0xca: {  	[hbm4b:s5+s2] =	stream.indirect_vreg.scatter [tilespmem:s25], [sflag:$0x1], $0x80, v4, vm0, $0xb8;
	[tilespmem:$0x14100] =	vst v63  }
0xcb: {  	s4 =	simm.s32 $0xD100;
	v3 =	vadd.s32 v1, v3  }
0xcc: {  	[hbm4b:s6+s2] =	stream.indirect_vreg.scatter [tilespmem:s4], [sflag:$0x1], $0x80, v4, vm0, $0xb8;
	[tilespmem:$0x14100] =	vst v63  }
0xcd: {  	s9 =	simm.s32 $0xD900  }
0xce: {  	[hbm4b:s7+s2] =	stream.indirect_vreg.scatter [tilespmem:s9], [sflag:$0x1], $0x80, v4, vm0, $0xb8;
	[tilespmem:$0x14100] =	vst v63  }
0xcf: {  	s24 =	simm.s32 $0xE100  }
0xd0: {  	[hbm4b:s3+s2] =	stream.indirect_vreg.scatter [tilespmem:s24], [sflag:$0x1], $0x80, v3, vm0, $0xb8;
	[tilespmem:$0x14100] =	vst v63  }
0xd1: {  	s25 =	simm.s32 $0xE900  }
0xd2: {  	[hbm4b:s5+s2] =	stream.indirect_vreg.scatter [tilespmem:s25], [sflag:$0x1], $0x80, v3, vm0, $0xb8;
	[tilespmem:$0x14100] =	vst v63  }
0xd3: {  	s4 =	simm.s32 $0xF100  }
0xd4: {  	[hbm4b:s6+s2] =	stream.indirect_vreg.scatter [tilespmem:s4], [sflag:$0x1], $0x80, v3, vm0, $0xb8;
	[tilespmem:$0x14100] =	vst v63  }
0xd5: {  	_ = 	snop  }
0xd6: {  	[hbm4b:s7+s2] =	stream.indirect_vreg.scatter [tilespmem:s0], [sflag:$0x1], $0x80, v3, vm0, $0xb8;
	[tilespmem:$0x14100] =	vst v63  }
0xd7: {  	s1 =	simm.s32 $0x40;
	s9 =	simm.s32 $0x10100;
	s0 =	rddreg [dreg:$0x8]  }
0xd8: {  	[hbm4b:s0+s1] =	stream.indirect.scatter [tilespmem:s9], [sflag:$0x1], $0x80, s2, s1, $0xb8;
	[tilespmem:$0x14100] =	vst v63  }
0xd9: {  	s24 =	simm.s32 $0x80;
	s25 =	simm.s32 $0x12100  }
0xda: {  	[hbm4b:s0+s1] =	stream.indirect.scatter [tilespmem:s25], [sflag:$0x1], $0x80, s24, s1, $0xb8;
	[tilespmem:$0x14100] =	vst v63  }
0xdb: {  	_ =	swait.ge [sflag:s13], $0x10000  }
0xdc: {  	[sflag:s13] =	ssyncset.done $0x0  }
0xdd: {  	[sflag:s13] =	ssyncadd.s32 $0xFFFF0000  }
0xde: {  	_ =	swait.ge [sflag:s13], $0x10000  }
0xdf: {  	[sflag:s13] =	ssyncset.done $0x0  }
0xe0: {  	[sflag:s13] =	ssyncadd.s32 $0xFFFF0000  }
0xe1: {  	p0 =	sne.s32 s8, $0x1;
	_ =	swait.ge [sflag:s13], $0x2000  }
.Ltmp0:
0xe2: {  	[sflag:s13] =	ssyncset.done $0x0;
	(pc) =	sbr.rel @p0 .LBB2_1-.Ltmp0, $4  }
0xe3: {  	[sflag:s13] =	ssyncadd.s32 $0xFFFFE000  }
0xe4: {  	_ =	swait.ge [sflag:s13], $0x2000  }
0xe5: {  	[sflag:s13] =	ssyncset.done $0x0  }
0xe6: {  	s8 =	sadd.s32 $0xFFFFFFFF, s8;
	[sflag:s13] =	ssyncadd.s32 $0xFFFFE000  }
0xe7: {  	_ =	sfence.sel $0x180000  }
0xe8: {  	[bflag:$0x0] =	sbarrier.arrive $0xFFFF  }
0xe9: {  	_ =	strace $0x90000047  }
0xea: {  	s0 =	stileid.u32;
	[bflag:$0x2] =	sbarrier.arrive $0xFFFF  }
0xeb: {  	p0 =	sne.s32 s0, $0x0;
	s0 =	rddreg [dreg:$0x2]  }
0xec: {  	s0 =	sadd.s32 @!p0 $0x100000, s0  }
0xed: {  	[sflag:s0] =	ssyncadd.tile.s32 @!p0 $0x1;
	_ =	shalt  }
.Lfunc_end2:
_tile_overlayer_lowered:
.L_overlay_start_2:
0xee: {  	(tag) =	ssettag $0x2  }
0xef: {  	s0 =	rddreg [dreg:$0x0];
	s2 =	stileid.u32  }
0xf0: {  	s1 =	rddreg [dreg:$0x1];
	p0 =	sne.s32 s2, $0x0  }
0xf1: {  	s3 =	rddreg [dreg:$0x2];
	[bflag:$0x3] =	sbarrier.arrive $0xFFFF;
	s2 =	simm.s32 @!p0 $0x1C02  }
0xf2: {  	[timem:s3], [sflag:s2] =	dma.local @!p0 [hbm:s0], s1  }
0xf3: {  	s0 =	simm.s32 @!p0 $0x2  }
0xf4: {  	_ =	swait.ge @!p0 [sflag:s0], s1  }
0xf5: {  	s1 =	ssub.s32 @!p0 $0x0, s1;
	[sflag:s0] =	ssyncset.done @!p0 $0x0  }
0xf6: {  	[sflag:s0] =	ssyncadd.s32 @!p0 s1  }
0xf7: {  	[bflag:$0x3] =	sbarrier.arrive $0xFFFF  }
0xf8: {  	_ =	shalt  }

</sc_bundles>
